<compile_context>
chip_gen: v7x
topology: tpu7x:2x2x1
jax: 0.10.2.dev20260603
libtpu: 0.0.44.dev20260713+nightly
codegen_flags: <defaults>
</compile_context>

<pallas_src>
import functools
import jax
import jax.numpy as jnp
from jax import lax
from jax.experimental import pallas as pl
from jax.experimental.pallas import tpu as pltpu
from jax.experimental.pallas import tpu_sc as plsc

_N_BITS = 8
_QN = float(-(2 ** (_N_BITS - 1)) + 1)
_QP = float(2 ** (_N_BITS - 1) - 1)
_XOR = 1 << (_N_BITS - 1)

_NC, _NS, _L = 2, 16, 16
_NW = _NC * _NS
_NR = 8
_HC = 2

_MAGIC = 12582912.0


@functools.lru_cache(maxsize=None)
def _build(nrow, ncol, n_flip):
  rows_per_tile = nrow // _NW
  ccol = ncol // _HC
  nband = rows_per_tile // _NR
  nchunk = nband * _HC
  n_fvec = -(-n_flip // _L)
  col_shift = ncol.bit_length() - 1
  assert 1 << col_shift == ncol
  ccol_shift = ccol.bit_length() - 1
  assert 1 << ccol_shift == ccol
  nr_shift = _NR.bit_length() - 1
  mesh = plsc.VectorSubcoreMesh(
      core_axis_name="core", subcore_axis_name="subcore",
      num_cores=_NC, num_subcores=_NS)

  @functools.partial(
      pl.kernel,
      out_type=jax.ShapeDtypeStruct((nrow, ncol), jnp.float32),
      mesh=mesh,
      compiler_params=pltpu.CompilerParams(needs_layout_passes=False),
      scratch_types=[
          pltpu.VMEM((_NR, ccol), jnp.float32),
          pltpu.VMEM((_NR, ccol), jnp.float32),
          pltpu.VMEM((_NR, ccol), jnp.float32),
          pltpu.VMEM((_NR, ccol), jnp.float32),
          pltpu.VMEM((_NR, ccol), jnp.float32),
          pltpu.VMEM((_NR, ccol), jnp.float32),
          pltpu.VMEM((n_flip,), jnp.int32),
          pltpu.VMEM((n_flip + _L,), jnp.int32),
          pltpu.VMEM((_L,), jnp.float32),
          pltpu.SemaphoreType.DMA,
          pltpu.SemaphoreType.DMA,
          pltpu.SemaphoreType.DMA,
          pltpu.SemaphoreType.DMA,
          pltpu.SemaphoreType.DMA,
          pltpu.SemaphoreType.DMA,
      ],
  )
  def launch(w_hbm, alpha_hbm, fidx_hbm, out_hbm,
             in0, in1, in2, o0, o1, o2, idx_v, tidx_v, alpha_ref,
             isem0, isem1, isem2, osem0, osem1, osem2):
    wid = lax.axis_index("subcore") * _NC + lax.axis_index("core")
    row_t = wid * rows_per_tile
    base_t = row_t * ncol

    ins = (in0, in1, in2)
    outs = (o0, o1, o2)
    isems = (isem0, isem1, isem2)
    osems = (osem0, osem1, osem2)

    def _chunk_slice(ref, c):
      if isinstance(c, int):
        band, half = c // _HC, c % _HC
      else:
        band = lax.shift_right_logical(c, 1)
        half = c & 1
      row0 = row_t + band * _NR
      col0 = half * ccol
      return ref.at[pl.ds(row0, _NR), pl.ds(col0, ccol)]

    for c0 in range(2):
      pltpu.async_copy(_chunk_slice(w_hbm, c0), ins[c0], isems[c0])

    pltpu.sync_copy(fidx_hbm, idx_v)
    pltpu.sync_copy(alpha_hbm, alpha_ref)
    lane = lax.iota(jnp.int32, _L)
    alpha_v = jnp.maximum(alpha_ref[...], 1e-4)
    inv_v = 1.0 / alpha_v

    def _compact(j, cnt):
      start = jnp.maximum(jnp.minimum(j * _L, n_flip - _L), 0)
      gid = start + lane
      iv = idx_v[pl.ds(start, _L)]
      m = ((gid >= j * _L)
           & (iv >= base_t) & (iv < base_t + rows_per_tile * ncol))
      plsc.store_compressed(tidx_v.at[pl.ds(cnt, _L)], iv - base_t, mask=m)
      return cnt + jnp.sum(m.astype(jnp.int32))

    cnt = lax.fori_loop(0, n_fvec, _compact, jnp.int32(0))
    n_tvec = (cnt + _L - 1) // _L

    def _do_chunk(ci, k, prefetch, wait_out):
      if prefetch:
        pltpu.async_copy(_chunk_slice(w_hbm, ci + 2),
                         ins[(k + 2) % 3], isems[(k + 2) % 3])
      pltpu.make_async_copy(_chunk_slice(w_hbm, ci), ins[k], isems[k]).wait()

      def _wait_out():
        pltpu.make_async_copy(
            outs[k], _chunk_slice(out_hbm, ci), osems[k]).wait()

      if wait_out is True:
        _wait_out()
      elif wait_out is not False:
        pl.when(wait_out)(_wait_out)

      in_ref = ins[k]
      out_ref = outs[k]

      @plsc.parallel_loop(0, _NR, step=1)
      def _rows(rr):
        @plsc.parallel_loop(0, ccol, step=_L, unroll=8)
        def _dense(i):
          x = in_ref[rr, pl.ds(i, _L)]
          q = jnp.minimum(jnp.maximum(x * inv_v, _QN), _QP)
          r = (q + _MAGIC) - _MAGIC
          out_ref[rr, pl.ds(i, _L)] = r * alpha_v

      if isinstance(ci, int):
        band, half = ci // _HC, ci % _HC
      else:
        band = lax.shift_right_logical(ci, 1)
        half = ci & 1

      def _flips(j, _):
        lv = tidx_v[pl.ds(j * _L, _L)]
        band_of = lax.shift_right_logical(lv, col_shift + nr_shift)
        col = lv & (ncol - 1)
        half_of = lax.shift_right_logical(col, ccol_shift)
        m = ((j * _L + lane < cnt)
             & (band_of == band) & (half_of == half))
        br = lax.shift_right_logical(lv, col_shift) & (_NR - 1)
        bc = col & (ccol - 1)
        wv = plsc.load_gather(in_ref, [br, bc], mask=m)
        q = jnp.minimum(jnp.maximum(wv * inv_v, _QN), _QP)
        t = q.astype(jnp.int32) ^ _XOR
        plsc.store_scatter(out_ref, [br, bc],
                           t.astype(jnp.float32) * alpha_v, mask=m)
        return 0

      lax.fori_loop(0, n_tvec, _flips, 0)

      pltpu.async_copy(out_ref, _chunk_slice(out_hbm, ci), osems[k])

    n_steady = nchunk - 2
    assert n_steady % 3 == 0 and _HC == 2

    def _round_body(r, _):
      for k in range(3):
        _do_chunk(3 * r + k, k, prefetch=True, wait_out=r > 0)
      return 0

    lax.fori_loop(0, n_steady // 3, _round_body, 0)

    for c in (nchunk - 2, nchunk - 1):
      _do_chunk(c, c % 3, prefetch=False, wait_out=True)

    for c in (nchunk - 3, nchunk - 2, nchunk - 1):
      pltpu.make_async_copy(
          outs[c % 3], _chunk_slice(out_hbm, c), osems[c % 3]).wait()

  return launch


def kernel(weight, alpha, flip_idx):
  nrow, ncol = weight.shape
  alpha16 = jnp.broadcast_to(
      alpha.astype(jnp.float32).reshape(()), (_L,))
  return _build(nrow, ncol, flip_idx.shape[0])(
      weight, alpha16, flip_idx.astype(jnp.int32))

# --- scband reference (transcript-rebuilt; emitter-appended) ---
"""Pipeline reference for scband-weight-quantizer-fn-17927193493928 (READ-ONLY COPY).

The authoritative reference and input builder live on the scoring server;
editing this copy changes nothing except your own understanding.
"""

import math
import jax, jax.numpy as jnp
import numpy as np

N_BITS = 8
FLIP_RATIO = 1e-4
SIZE = (4096, 4096)


def setup_inputs(seed: int = 0) -> dict:
    key = jax.random.key(seed)
    weight = jax.random.normal(key, SIZE, dtype=jnp.float32)
    Qp = 2 ** (N_BITS - 1) - 1
    # LSQ-style init: alpha = 2 * mean(|w|) / sqrt(Qp), clamped to min 1e-4
    alpha = jnp.maximum(2.0 * jnp.mean(jnp.abs(weight)) / math.sqrt(Qp), 1e-4).reshape(1)
    n = SIZE[0] * SIZE[1]
    flip_num = math.ceil(n * FLIP_RATIO)
    # uniform sampling without replacement (WeightedRandomSampler with equal weights)
    flip_idx = jnp.asarray(np.random.default_rng(0).choice(n, size=flip_num, replace=False), dtype=jnp.int32)
    return {"weight": weight, "alpha": alpha, "flip_idx": flip_idx}


def reference(weight, alpha, flip_idx):
    Qn = -(2 ** (N_BITS - 1)) + 1
    Qp = 2 ** (N_BITS - 1) - 1
    g = 1.0 / math.sqrt(weight.size * Qp)
    alpha_c = jnp.maximum(alpha, 1e-4)
    # grad_scale: forward value = alpha, backward grad scaled by g
    alpha_s = alpha_c * g + jax.lax.stop_gradient(alpha_c - alpha_c * g)
    quantized = jnp.clip(weight / alpha_s, Qn, Qp)
    flat = quantized.reshape(-1)
    sel = flat[flip_idx]
    # MSB bit-flip: truncate-toward-zero int cast then XOR with 1 << (N_bits - 1)
    flipped = (sel.astype(jnp.int32) ^ (1 << (N_BITS - 1))).astype(jnp.float32)
    # .data.copy_ in torch bypasses autograd: value changes, gradient path unchanged
    flat = flat.at[flip_idx].set(sel + jax.lax.stop_gradient(flipped - sel))
    quantized = flat.reshape(weight.shape)
    # round_pass: straight-through rounding
    w_q = (quantized + jax.lax.stop_gradient(jnp.round(quantized) - quantized)) * alpha_s
    return w_q

if __name__ == "__main__":
    import jax
    _d = setup_inputs()
    print(jax.jit(kernel)(*tuple(_d.values())))

</pallas_src>

<mosaic_0001>
#map = affine_map<(d0, d1) -> (0, 0)>
#map1 = affine_map<(d0, d1) -> (0)>
module attributes {stable_mosaic.version = 14 : i64} {
  func.func @launch(%arg0: i32, %arg1: i32, %arg2: memref<4096x4096xf32, #tpu.memory_space<hbm>>, %arg3: memref<16xf32, #tpu.memory_space<hbm>>, %arg4: memref<1678xi32, #tpu.memory_space<hbm>>, %arg5: memref<4096x4096xf32, #tpu.memory_space<hbm>>, %arg6: memref<8x2048xf32, #tpu.memory_space<vmem>>, %arg7: memref<8x2048xf32, #tpu.memory_space<vmem>>, %arg8: memref<8x2048xf32, #tpu.memory_space<vmem>>, %arg9: memref<8x2048xf32, #tpu.memory_space<vmem>>, %arg10: memref<8x2048xf32, #tpu.memory_space<vmem>>, %arg11: memref<8x2048xf32, #tpu.memory_space<vmem>>, %arg12: memref<1678xi32, #tpu.memory_space<vmem>>, %arg13: memref<1694xi32, #tpu.memory_space<vmem>>, %arg14: memref<16xf32, #tpu.memory_space<vmem>>, %arg15: memref<!tpu.dma_semaphore, #tpu.memory_space<semaphore_mem>>, %arg16: memref<!tpu.dma_semaphore, #tpu.memory_space<semaphore_mem>>, %arg17: memref<!tpu.dma_semaphore, #tpu.memory_space<semaphore_mem>>, %arg18: memref<!tpu.dma_semaphore, #tpu.memory_space<semaphore_mem>>, %arg19: memref<!tpu.dma_semaphore, #tpu.memory_space<semaphore_mem>>, %arg20: memref<!tpu.dma_semaphore, #tpu.memory_space<semaphore_mem>>) attributes {dimension_semantics = [#tpu.dimension_semantics<core_parallel>, #tpu.dimension_semantics<subcore_parallel>], iteration_bounds = array<i64: 2, 16>, scalar_prefetch = 0 : i64, scratch_operands = 15 : i64, tpu.core_type = #tpu.core_type<sc_vector_subcore>, window_params = [{transform_indices = #map}, {transform_indices = #map1}, {transform_indices = #map1}, {transform_indices = #map}]} {
    %mul3A = arith.constant 2 : i32
    %mul3A_0 = arith.muli %arg1, %mul3A : i32
    %add3A = arith.addi %mul3A_0, %arg0 : i32
    %mul3A_1 = arith.constant 128 : i32
    %mul3A_2 = arith.muli %add3A, %mul3A_1 : i32
    %mul3A_3 = arith.constant 4096 : i32
    %mul3A_4 = arith.muli %mul3A_2, %mul3A_3 : i32
    %add3A_5 = arith.constant 0 : i32
    %add3A_6 = arith.addi %mul3A_2, %add3A_5 : i32
    %dma_start3A = arith.constant 0 : i32
    %dma_start3A_7 = tpu.memref_slice %arg2[%add3A_6, %dma_start3A] : memref<4096x4096xf32, #tpu.memory_space<hbm>> -> memref<8x2048xf32, #tpu.memory_space<hbm>>
    %dma_start3A_8 = arith.constant 0 : i32
    %dma_start3A_9 = tpu.memref_slice %arg2[%add3A_6, %dma_start3A_8] : memref<4096x4096xf32, #tpu.memory_space<hbm>> -> memref<8x2048xf32, #tpu.memory_space<hbm>>
    tpu.enqueue_dma source(%dma_start3A_9 : memref<8x2048xf32, #tpu.memory_space<hbm>>) target(%arg6 : memref<8x2048xf32, #tpu.memory_space<vmem>>) target_semaphore(%arg15 : memref<!tpu.dma_semaphore, #tpu.memory_space<semaphore_mem>>)
    %add3A_10 = arith.constant 0 : i32
    %add3A_11 = arith.addi %mul3A_2, %add3A_10 : i32
    %dma_start3A_12 = arith.constant 2048 : i32
    %dma_start3A_13 = tpu.memref_slice %arg2[%add3A_11, %dma_start3A_12] : memref<4096x4096xf32, #tpu.memory_space<hbm>> -> memref<8x2048xf32, #tpu.memory_space<hbm>>
    %dma_start3A_14 = arith.constant 2048 : i32
    %dma_start3A_15 = tpu.memref_slice %arg2[%add3A_11, %dma_start3A_14] : memref<4096x4096xf32, #tpu.memory_space<hbm>> -> memref<8x2048xf32, #tpu.memory_space<hbm>>
    tpu.enqueue_dma source(%dma_start3A_15 : memref<8x2048xf32, #tpu.memory_space<hbm>>) target(%arg7 : memref<8x2048xf32, #tpu.memory_space<vmem>>) target_semaphore(%arg16 : memref<!tpu.dma_semaphore, #tpu.memory_space<semaphore_mem>>)
    "tpu.region"() ({
      %run_scoped3A = tpu.sem_alloc : memref<!tpu.dma_semaphore, #tpu.memory_space<semaphore_mem>>
      tpu.enqueue_dma source(%arg4 : memref<1678xi32, #tpu.memory_space<hbm>>) target(%arg12 : memref<1678xi32, #tpu.memory_space<vmem>>) target_semaphore(%run_scoped3A : memref<!tpu.dma_semaphore, #tpu.memory_space<semaphore_mem>>)
      tpu.wait_dma2 semaphore(%run_scoped3A : memref<!tpu.dma_semaphore, #tpu.memory_space<semaphore_mem>>) src(%arg4 : memref<1678xi32, #tpu.memory_space<hbm>>) dst(%arg12 : memref<1678xi32, #tpu.memory_space<vmem>>)
      tpu.yield
    }) : () -> ()
    "tpu.region"() ({
      %run_scoped3A = tpu.sem_alloc : memref<!tpu.dma_semaphore, #tpu.memory_space<semaphore_mem>>
      tpu.enqueue_dma source(%arg3 : memref<16xf32, #tpu.memory_space<hbm>>) target(%arg14 : memref<16xf32, #tpu.memory_space<vmem>>) target_semaphore(%run_scoped3A : memref<!tpu.dma_semaphore, #tpu.memory_space<semaphore_mem>>)
      tpu.wait_dma2 semaphore(%run_scoped3A : memref<!tpu.dma_semaphore, #tpu.memory_space<semaphore_mem>>) src(%arg3 : memref<16xf32, #tpu.memory_space<hbm>>) dst(%arg14 : memref<16xf32, #tpu.memory_space<vmem>>)
      tpu.yield
    }) : () -> ()
    %iota3A = tpu.iota {dimensions = array<i32: 0>} : vector<16xi32>
    %get3A = arith.constant 0 : index
    %get3A_16 = tpu.vector_load %arg14[%get3A] {strides = array<i32>} : memref<16xf32, #tpu.memory_space<vmem>>, vector<16xf32>,
    %max3A = arith.constant 9.99999974E-5 : f32
    %max3A_17 = vector.broadcast %max3A : f32 to vector<16xf32>
    %max3A_18 = arith.maximumf %get3A_16, %max3A_17 : vector<16xf32>
    %div3A = arith.constant 1.000000e+00 : f32
    %div3A_19 = vector.broadcast %div3A : f32 to vector<16xf32>
    %div3A_20 = arith.divf %div3A_19, %max3A_18 : vector<16xf32>
    %scan3A = arith.constant 0 : i32
    %scan3A_21 = arith.constant 0 : i32
    %scan3A_22 = arith.constant 105 : i32
    %scan3A_23 = arith.addi %scan3A_21, %scan3A_22 : i32
    %scan3A_24 = arith.constant 1 : i32
    %scan3A_25 = scf.for %scan3A_136 = %scan3A_21 to %scan3A_23 step %scan3A_24 iter_args(%scan3A_137 = %scan3A) -> (i32)  : i32 {
      %mul3A_138 = arith.constant 16 : i32
      %mul3A_139 = arith.muli %scan3A_136, %mul3A_138 : i32
      %min3A = arith.constant 1662 : i32
      %min3A_140 = arith.minsi %mul3A_139, %min3A : i32
      %max3A_141 = arith.constant 0 : i32
      %max3A_142 = arith.maxsi %min3A_140, %max3A_141 : i32
      %add3A_143 = vector.broadcast %max3A_142 : i32 to vector<16xi32>
      %add3A_144 = arith.addi %add3A_143, %iota3A : vector<16xi32>
      %get3A_145 = arith.index_cast %max3A_142 : i32 to index
      %get3A_146 = tpu.vector_load %arg12[%get3A_145] {strides = array<i32>} : memref<1678xi32, #tpu.memory_space<vmem>>, vector<16xi32>,
      %mul3A_147 = arith.constant 16 : i32
      %mul3A_148 = arith.muli %scan3A_136, %mul3A_147 : i32
      %ge3A = vector.broadcast %mul3A_148 : i32 to vector<16xi32>
      %ge3A_149 = arith.cmpi sge, %add3A_144, %ge3A : vector<16xi32>
      %ge3A_150 = vector.broadcast %mul3A_4 : i32 to vector<16xi32>
      %ge3A_151 = arith.cmpi sge, %get3A_146, %ge3A_150 : vector<16xi32>
      %and3A_152 = arith.andi %ge3A_149, %ge3A_151 : vector<16xi1>
      %add3A_153 = arith.constant 524288 : i32
      %add3A_154 = arith.addi %mul3A_4, %add3A_153 : i32
      %lt3A = vector.broadcast %add3A_154 : i32 to vector<16xi32>
      %lt3A_155 = arith.cmpi slt, %get3A_146, %lt3A : vector<16xi32>
      %and3A_156 = arith.andi %and3A_152, %lt3A_155 : vector<16xi1>
      %sub3A_157 = vector.broadcast %mul3A_4 : i32 to vector<16xi32>
      %sub3A_158 = arith.subi %get3A_146, %sub3A_157 : vector<16xi32>
      %swap3A = arith.index_cast %scan3A_137 : i32 to index
      %swap3A_159 = tpu.vector_load %arg13[%swap3A] masked %and3A_156 {strides = array<i32>} : memref<1694xi32, #tpu.memory_space<vmem>>, vector<16xi32>, vector<16xi1>
      tpu.vector_store %arg13[%swap3A], %sub3A_158 masked %and3A_156 {strides = array<i32>} : memref<1694xi32, #tpu.memory_space<vmem>>, vector<16xi32>, vector<16xi1>
      %convert_element_type3A = arith.extui %and3A_156 : vector<16xi1> to vector<16xi32>
      %reduce_sum3A = arith.constant true
      %reduce_sum3A_160 = vector.broadcast %reduce_sum3A : i1 to vector<16xi1>
      %reduce_sum3A_161 = tpu.scan <sum>, %convert_element_type3A masked %reduce_sum3A_160 : vector<16xi32>, vector<16xi1> -> vector<16xi32>
      %reduce_sum3A_162 = vector.extract %reduce_sum3A_161[15] : i32 from vector<16xi32>
      %add3A_163 = arith.addi %scan3A_137, %reduce_sum3A_162 : i32
      scf.yield %add3A_163 : i32
    }
    %scan3A_26 = arith.constant 105 : i32
    %add3A_27 = arith.constant 16 : i32
    %add3A_28 = arith.addi %scan3A_25, %add3A_27 : i32
    %sub3A = arith.constant 1 : i32
    %sub3A_29 = arith.subi %add3A_28, %sub3A : i32
    %jit3A = arith.constant 16 : i32
    %div3A_30 = arith.divsi %sub3A_29, %jit3A : i32
    %sign3A = arith.constant 0 : i32
    %sign3A_31 = arith.cmpi sgt, %sub3A_29, %sign3A : i32
    %sign3A_32 = arith.extui %sign3A_31 : i1 to i32
    %sign3A_33 = arith.constant 0 : i32
    %sign3A_34 = arith.cmpi slt, %sub3A_29, %sign3A_33 : i32
    %sign3A_35 = arith.extui %sign3A_34 : i1 to i32
    %sign3A_36 = arith.subi %sign3A_32, %sign3A_35 : i32
    %sign3A_37 = arith.constant 0 : i32
    %sign3A_38 = arith.cmpi sgt, %jit3A, %sign3A_37 : i32
    %sign3A_39 = arith.extui %sign3A_38 : i1 to i32
    %sign3A_40 = arith.constant 0 : i32
    %sign3A_41 = arith.cmpi slt, %jit3A, %sign3A_40 : i32
    %sign3A_42 = arith.extui %sign3A_41 : i1 to i32
    %sign3A_43 = arith.subi %sign3A_39, %sign3A_42 : i32
    %ne3A = arith.cmpi ne, %sign3A_36, %sign3A_43 : i32
    %rem3A = arith.remsi %sub3A_29, %jit3A : i32
    %ne3A_44 = arith.constant 0 : i32
    %ne3A_45 = arith.cmpi ne, %rem3A, %ne3A_44 : i32
    %and3A = arith.andi %ne3A, %ne3A_45 : i1
    %sub3A_46 = arith.constant 1 : i32
    %sub3A_47 = arith.subi %div3A_30, %sub3A_46 : i32
    %select_n3A = arith.select %and3A, %sub3A_47, %div3A_30 : i32
    %scan3A_48 = arith.constant 0 : i32
    %scan3A_49 = arith.constant 0 : i32
    %scan3A_50 = arith.constant 10 : i32
    %scan3A_51 = arith.addi %scan3A_49, %scan3A_50 : i32
    %scan3A_52 = arith.constant 1 : i32
    %scan3A_53 = scf.for %scan3A_136 = %scan3A_49 to %scan3A_51 step %scan3A_52 iter_args(%scan3A_137 = %scan3A_48) -> (i32)  : i32 {
      %mul3A_138 = arith.constant 3 : i32
      %mul3A_139 = arith.muli %mul3A_138, %scan3A_136 : i32
      %add3A_140 = arith.constant 0 : i32
      %add3A_141 = arith.addi %mul3A_139, %add3A_140 : i32
      %gt3A = arith.constant 0 : i32
      %gt3A_142 = arith.cmpi sgt, %scan3A_136, %gt3A : i32
      %add3A_143 = arith.constant 2 : i32
      %add3A_144 = arith.addi %add3A_141, %add3A_143 : i32
      %shift_right_logical3A = arith.constant 1 : i32
      %shift_right_logical3A_145 = arith.shrui %add3A_144, %shift_right_logical3A : i32
      %and3A_146 = arith.constant 1 : i32
      %and3A_147 = arith.andi %add3A_144, %and3A_146 : i32
      %mul3A_148 = arith.constant 8 : i32
      %mul3A_149 = arith.muli %shift_right_logical3A_145, %mul3A_148 : i32
      %add3A_150 = arith.addi %mul3A_2, %mul3A_149 : i32
      %mul3A_151 = arith.constant 2048 : i32
      %mul3A_152 = arith.muli %and3A_147, %mul3A_151 : i32
      %dma_start3A_153 = tpu.memref_slice %arg2[%add3A_150, %mul3A_152] : memref<4096x4096xf32, #tpu.memory_space<hbm>> -> memref<8x2048xf32, #tpu.memory_space<hbm>>
      %dma_start3A_154 = tpu.memref_slice %arg2[%add3A_150, %mul3A_152] : memref<4096x4096xf32, #tpu.memory_space<hbm>> -> memref<8x2048xf32, #tpu.memory_space<hbm>>
      tpu.enqueue_dma source(%dma_start3A_154 : memref<8x2048xf32, #tpu.memory_space<hbm>>) target(%arg8 : memref<8x2048xf32, #tpu.memory_space<vmem>>) target_semaphore(%arg17 : memref<!tpu.dma_semaphore, #tpu.memory_space<semaphore_mem>>)
      %shift_right_logical3A_155 = arith.constant 1 : i32
      %shift_right_logical3A_156 = arith.shrui %add3A_141, %shift_right_logical3A_155 : i32
      %and3A_157 = arith.constant 1 : i32
      %and3A_158 = arith.andi %add3A_141, %and3A_157 : i32
      %mul3A_159 = arith.constant 8 : i32
      %mul3A_160 = arith.muli %shift_right_logical3A_156, %mul3A_159 : i32
      %add3A_161 = arith.addi %mul3A_2, %mul3A_160 : i32
      %mul3A_162 = arith.constant 2048 : i32
      %mul3A_163 = arith.muli %and3A_158, %mul3A_162 : i32
      %dma_wait3A_164 = tpu.memref_slice %arg2[%add3A_161, %mul3A_163] : memref<4096x4096xf32, #tpu.memory_space<hbm>> -> memref<8x2048xf32, #tpu.memory_space<hbm>>
      %dma_wait3A_165 = tpu.memref_slice %arg2[%add3A_161, %mul3A_163] : memref<4096x4096xf32, #tpu.memory_space<hbm>> -> memref<8x2048xf32, #tpu.memory_space<hbm>>
      tpu.wait_dma2 semaphore(%arg15 : memref<!tpu.dma_semaphore, #tpu.memory_space<semaphore_mem>>) src(%dma_wait3A_165 : memref<8x2048xf32, #tpu.memory_space<hbm>>) dst(%arg6 : memref<8x2048xf32, #tpu.memory_space<vmem>>)
      %convert_element_type3A = arith.extui %gt3A_142 : i1 to i32
      %cond3A = arith.constant 0 : i32
      %cond3A_166 = arith.cmpi ne, %convert_element_type3A, %cond3A : i32
      scf.if %cond3A_166 {
        %shift_right_logical3A_324 = arith.constant 1 : i32
        %shift_right_logical3A_325 = arith.shrui %add3A_141, %shift_right_logical3A_324 : i32
        %and3A_326 = arith.constant 1 : i32
        %and3A_327 = arith.andi %add3A_141, %and3A_326 : i32
        %mul3A_328 = arith.constant 8 : i32
        %mul3A_329 = arith.muli %shift_right_logical3A_325, %mul3A_328 : i32
        %add3A_330 = arith.addi %mul3A_2, %mul3A_329 : i32
        %mul3A_331 = arith.constant 2048 : i32
        %mul3A_332 = arith.muli %and3A_327, %mul3A_331 : i32
        %dma_wait3A_333 = tpu.memref_slice %arg5[%add3A_330, %mul3A_332] : memref<4096x4096xf32, #tpu.memory_space<hbm>> -> memref<8x2048xf32, #tpu.memory_space<hbm>>
        %dma_wait3A_334 = tpu.memref_slice %arg5[%add3A_330, %mul3A_332] : memref<4096x4096xf32, #tpu.memory_space<hbm>> -> memref<8x2048xf32, #tpu.memory_space<hbm>>
        tpu.wait_dma2 semaphore(%arg18 : memref<!tpu.dma_semaphore, #tpu.memory_space<semaphore_mem>>) src(%arg9 : memref<8x2048xf32, #tpu.memory_space<vmem>>) dst(%dma_wait3A_334 : memref<8x2048xf32, #tpu.memory_space<hbm>>)
      } else {
      }
      %parallel_loop3A_167 = arith.constant 0 : i32
      %parallel_loop3A_168 = arith.constant 8 : i32
      %parallel_loop3A_169 = arith.constant 1 : i32
      scf.for %parallel_loop3A_324 = %parallel_loop3A_167 to %parallel_loop3A_168 step %parallel_loop3A_169  : i32 {
        %parallel_loop3A_325 = arith.constant 0 : i32
        %parallel_loop3A_326 = arith.constant 2048 : i32
        %parallel_loop3A_327 = arith.constant 16 : i32
        scf.for %parallel_loop3A_328 = %parallel_loop3A_325 to %parallel_loop3A_326 step %parallel_loop3A_327  : i32 {
          %parallel_loop3A_329 = arith.index_cast %parallel_loop3A_324 : i32 to index
          %parallel_loop3A_330 = arith.index_cast %parallel_loop3A_328 : i32 to index
          %parallel_loop3A_331 = tpu.vector_load %arg6[%parallel_loop3A_329, %parallel_loop3A_330] {strides = array<i32>} : memref<8x2048xf32, #tpu.memory_space<vmem>>, vector<16xf32>,
          %parallel_loop3A_332 = arith.mulf %parallel_loop3A_331, %div3A_20 : vector<16xf32>
          %parallel_loop3A_333 = arith.constant -1.270000e+02 : f32
          %parallel_loop3A_334 = vector.broadcast %parallel_loop3A_333 : f32 to vector<16xf32>
          %parallel_loop3A_335 = arith.maximumf %parallel_loop3A_332, %parallel_loop3A_334 : vector<16xf32>
          %parallel_loop3A_336 = arith.constant 1.270000e+02 : f32
          %parallel_loop3A_337 = vector.broadcast %parallel_loop3A_336 : f32 to vector<16xf32>
          %parallel_loop3A_338 = arith.minimumf %parallel_loop3A_335, %parallel_loop3A_337 : vector<16xf32>
          %parallel_loop3A_339 = arith.constant 0x4B400000 : f32
          %parallel_loop3A_340 = vector.broadcast %parallel_loop3A_339 : f32 to vector<16xf32>
          %parallel_loop3A_341 = arith.addf %parallel_loop3A_338, %parallel_loop3A_340 : vector<16xf32>
          %parallel_loop3A_342 = arith.constant 0x4B400000 : f32
          %parallel_loop3A_343 = vector.broadcast %parallel_loop3A_342 : f32 to vector<16xf32>
          %parallel_loop3A_344 = arith.subf %parallel_loop3A_341, %parallel_loop3A_343 : vector<16xf32>
          %parallel_loop3A_345 = arith.mulf %parallel_loop3A_344, %max3A_18 : vector<16xf32>
          %parallel_loop3A_346 = arith.index_cast %parallel_loop3A_324 : i32 to index
          %parallel_loop3A_347 = arith.index_cast %parallel_loop3A_328 : i32 to index
          %parallel_loop3A_348 = tpu.vector_load %arg9[%parallel_loop3A_346, %parallel_loop3A_347] {strides = array<i32>} : memref<8x2048xf32, #tpu.memory_space<vmem>>, vector<16xf32>,
          tpu.vector_store %arg9[%parallel_loop3A_346, %parallel_loop3A_347], %parallel_loop3A_345 {strides = array<i32>} : memref<8x2048xf32, #tpu.memory_space<vmem>>, vector<16xf32>,
        } {sc.loop_unroll_factor = 8 : i64, sc.parallel_access}
      } {sc.loop_unroll_factor = 1 : i64, sc.parallel_access}
      %shift_right_logical3A_170 = arith.constant 1 : i32
      %shift_right_logical3A_171 = arith.shrui %add3A_141, %shift_right_logical3A_170 : i32
      %and3A_172 = arith.constant 1 : i32
      %and3A_173 = arith.andi %add3A_141, %and3A_172 : i32
      %while3A_174 = arith.constant 0 : i32
      %while3A_175 = arith.constant 0 : i32
      %while3A_176 = arith.subi %select_n3A, %while3A_174 : i32
      %while3A_177 = arith.addi %while3A_174, %while3A_176 : i32
      %while3A_178 = arith.constant 1 : i32
      %while3A_179 = arith.divsi %while3A_176, %while3A_178 : i32
      %while3A_180 = arith.muli %while3A_179, %while3A_178 : i32
      %while3A_181 = arith.addi %while3A_174, %while3A_180 : i32
      %while3A_182 = arith.constant 1 : i32
      %while3A_183 = scf.for %while3A_324 = %while3A_174 to %while3A_181 step %while3A_182 iter_args(%while3A_325 = %while3A_175) -> (i32)  : i32 {
        %mul3A_326 = arith.constant 16 : i32
        %mul3A_327 = arith.muli %while3A_324, %mul3A_326 : i32
        %get3A_328 = arith.index_cast %mul3A_327 : i32 to index
        %get3A_329 = tpu.vector_load %arg13[%get3A_328] {strides = array<i32>} : memref<1694xi32, #tpu.memory_space<vmem>>, vector<16xi32>,
        %shift_right_logical3A_330 = arith.constant 15 : i32
        %shift_right_logical3A_331 = vector.broadcast %shift_right_logical3A_330 : i32 to vector<16xi32>
        %shift_right_logical3A_332 = arith.shrui %get3A_329, %shift_right_logical3A_331 : vector<16xi32>
        %and3A_333 = arith.constant 4095 : i32
        %and3A_334 = vector.broadcast %and3A_333 : i32 to vector<16xi32>
        %and3A_335 = arith.andi %get3A_329, %and3A_334 : vector<16xi32>
        %shift_right_logical3A_336 = arith.constant 11 : i32
        %shift_right_logical3A_337 = vector.broadcast %shift_right_logical3A_336 : i32 to vector<16xi32>
        %shift_right_logical3A_338 = arith.shrui %and3A_335, %shift_right_logical3A_337 : vector<16xi32>
        %mul3A_339 = arith.constant 16 : i32
        %mul3A_340 = arith.muli %while3A_324, %mul3A_339 : i32
        %add3A_341 = vector.broadcast %mul3A_340 : i32 to vector<16xi32>
        %add3A_342 = arith.addi %add3A_341, %iota3A : vector<16xi32>
        %lt3A = vector.broadcast %scan3A_25 : i32 to vector<16xi32>
        %lt3A_343 = arith.cmpi slt, %add3A_342, %lt3A : vector<16xi32>
        %eq3A = vector.broadcast %shift_right_logical3A_171 : i32 to vector<16xi32>
        %eq3A_344 = arith.cmpi eq, %shift_right_logical3A_332, %eq3A : vector<16xi32>
        %and3A_345 = arith.andi %lt3A_343, %eq3A_344 : vector<16xi1>
        %eq3A_346 = vector.broadcast %and3A_173 : i32 to vector<16xi32>
        %eq3A_347 = arith.cmpi eq, %shift_right_logical3A_338, %eq3A_346 : vector<16xi32>
        %and3A_348 = arith.andi %and3A_345, %eq3A_347 : vector<16xi1>
        %shift_right_logical3A_349 = arith.constant 12 : i32
        %shift_right_logical3A_350 = vector.broadcast %shift_right_logical3A_349 : i32 to vector<16xi32>
        %shift_right_logical3A_351 = arith.shrui %get3A_329, %shift_right_logical3A_350 : vector<16xi32>
        %and3A_352 = arith.constant 7 : i32
        %and3A_353 = vector.broadcast %and3A_352 : i32 to vector<16xi32>
        %and3A_354 = arith.andi %shift_right_logical3A_351, %and3A_353 : vector<16xi32>
        %and3A_355 = arith.constant 2047 : i32
        %and3A_356 = vector.broadcast %and3A_355 : i32 to vector<16xi32>
        %and3A_357 = arith.andi %and3A_335, %and3A_356 : vector<16xi32>
        %gather3A = tpu.vector_load_idx %arg6[%and3A_354, %and3A_357] masked %and3A_348 : memref<8x2048xf32, #tpu.memory_space<vmem>>[vector<16xi32>, vector<16xi32>], vector<16xf32>, vector<16xi1>
        %mul3A_358 = arith.mulf %gather3A, %div3A_20 : vector<16xf32>
        %max3A_359 = arith.constant -1.270000e+02 : f32
        %max3A_360 = vector.broadcast %max3A_359 : f32 to vector<16xf32>
        %max3A_361 = arith.maximumf %mul3A_358, %max3A_360 : vector<16xf32>
        %min3A = arith.constant 1.270000e+02 : f32
        %min3A_362 = vector.broadcast %min3A : f32 to vector<16xf32>
        %min3A_363 = arith.minimumf %max3A_361, %min3A_362 : vector<16xf32>
        %convert_element_type3A_364 = arith.fptosi %min3A_363 : vector<16xf32> to vector<16xi32>
        %xor3A = arith.constant 128 : i32
        %xor3A_365 = vector.broadcast %xor3A : i32 to vector<16xi32>
        %xor3A_366 = arith.xori %convert_element_type3A_364, %xor3A_365 : vector<16xi32>
        %convert_element_type3A_367 = arith.sitofp %xor3A_366 : vector<16xi32> to vector<16xf32>
        %mul3A_368 = arith.mulf %convert_element_type3A_367, %max3A_18 : vector<16xf32>
        tpu.vector_store_idx %arg9[%and3A_354, %and3A_357], %mul3A_368 masked %and3A_348 : memref<8x2048xf32, #tpu.memory_space<vmem>>[vector<16xi32>, vector<16xi32>], vector<16xf32>, vector<16xi1>
        %while3A_369 = arith.constant 0 : i32
        scf.yield %while3A_369 : i32
      }
      %while3A_184 = arith.constant 1 : i32
      %while3A_185 = scf.for %while3A_324 = %while3A_181 to %while3A_177 step %while3A_184 iter_args(%while3A_325 = %while3A_183) -> (i32)  : i32 {
        %mul3A_326 = arith.constant 16 : i32
        %mul3A_327 = arith.muli %while3A_324, %mul3A_326 : i32
        %get3A_328 = arith.index_cast %mul3A_327 : i32 to index
        %get3A_329 = tpu.vector_load %arg13[%get3A_328] {strides = array<i32>} : memref<1694xi32, #tpu.memory_space<vmem>>, vector<16xi32>,
        %shift_right_logical3A_330 = arith.constant 15 : i32
        %shift_right_logical3A_331 = vector.broadcast %shift_right_logical3A_330 : i32 to vector<16xi32>
        %shift_right_logical3A_332 = arith.shrui %get3A_329, %shift_right_logical3A_331 : vector<16xi32>
        %and3A_333 = arith.constant 4095 : i32
        %and3A_334 = vector.broadcast %and3A_333 : i32 to vector<16xi32>
        %and3A_335 = arith.andi %get3A_329, %and3A_334 : vector<16xi32>
        %shift_right_logical3A_336 = arith.constant 11 : i32
        %shift_right_logical3A_337 = vector.broadcast %shift_right_logical3A_336 : i32 to vector<16xi32>
        %shift_right_logical3A_338 = arith.shrui %and3A_335, %shift_right_logical3A_337 : vector<16xi32>
        %mul3A_339 = arith.constant 16 : i32
        %mul3A_340 = arith.muli %while3A_324, %mul3A_339 : i32
        %add3A_341 = vector.broadcast %mul3A_340 : i32 to vector<16xi32>
        %add3A_342 = arith.addi %add3A_341, %iota3A : vector<16xi32>
        %lt3A = vector.broadcast %scan3A_25 : i32 to vector<16xi32>
        %lt3A_343 = arith.cmpi slt, %add3A_342, %lt3A : vector<16xi32>
        %eq3A = vector.broadcast %shift_right_logical3A_171 : i32 to vector<16xi32>
        %eq3A_344 = arith.cmpi eq, %shift_right_logical3A_332, %eq3A : vector<16xi32>
        %and3A_345 = arith.andi %lt3A_343, %eq3A_344 : vector<16xi1>
        %eq3A_346 = vector.broadcast %and3A_173 : i32 to vector<16xi32>
        %eq3A_347 = arith.cmpi eq, %shift_right_logical3A_338, %eq3A_346 : vector<16xi32>
        %and3A_348 = arith.andi %and3A_345, %eq3A_347 : vector<16xi1>
        %shift_right_logical3A_349 = arith.constant 12 : i32
        %shift_right_logical3A_350 = vector.broadcast %shift_right_logical3A_349 : i32 to vector<16xi32>
        %shift_right_logical3A_351 = arith.shrui %get3A_329, %shift_right_logical3A_350 : vector<16xi32>
        %and3A_352 = arith.constant 7 : i32
        %and3A_353 = vector.broadcast %and3A_352 : i32 to vector<16xi32>
        %and3A_354 = arith.andi %shift_right_logical3A_351, %and3A_353 : vector<16xi32>
        %and3A_355 = arith.constant 2047 : i32
        %and3A_356 = vector.broadcast %and3A_355 : i32 to vector<16xi32>
        %and3A_357 = arith.andi %and3A_335, %and3A_356 : vector<16xi32>
        %gather3A = tpu.vector_load_idx %arg6[%and3A_354, %and3A_357] masked %and3A_348 : memref<8x2048xf32, #tpu.memory_space<vmem>>[vector<16xi32>, vector<16xi32>], vector<16xf32>, vector<16xi1>
        %mul3A_358 = arith.mulf %gather3A, %div3A_20 : vector<16xf32>
        %max3A_359 = arith.constant -1.270000e+02 : f32
        %max3A_360 = vector.broadcast %max3A_359 : f32 to vector<16xf32>
        %max3A_361 = arith.maximumf %mul3A_358, %max3A_360 : vector<16xf32>
        %min3A = arith.constant 1.270000e+02 : f32
        %min3A_362 = vector.broadcast %min3A : f32 to vector<16xf32>
        %min3A_363 = arith.minimumf %max3A_361, %min3A_362 : vector<16xf32>
        %convert_element_type3A_364 = arith.fptosi %min3A_363 : vector<16xf32> to vector<16xi32>
        %xor3A = arith.constant 128 : i32
        %xor3A_365 = vector.broadcast %xor3A : i32 to vector<16xi32>
        %xor3A_366 = arith.xori %convert_element_type3A_364, %xor3A_365 : vector<16xi32>
        %convert_element_type3A_367 = arith.sitofp %xor3A_366 : vector<16xi32> to vector<16xf32>
        %mul3A_368 = arith.mulf %convert_element_type3A_367, %max3A_18 : vector<16xf32>
        tpu.vector_store_idx %arg9[%and3A_354, %and3A_357], %mul3A_368 masked %and3A_348 : memref<8x2048xf32, #tpu.memory_space<vmem>>[vector<16xi32>, vector<16xi32>], vector<16xf32>, vector<16xi1>
        %while3A_369 = arith.constant 0 : i32
        scf.yield %while3A_369 : i32
      }
      %shift_right_logical3A_186 = arith.constant 1 : i32
      %shift_right_logical3A_187 = arith.shrui %add3A_141, %shift_right_logical3A_186 : i32
      %and3A_188 = arith.constant 1 : i32
      %and3A_189 = arith.andi %add3A_141, %and3A_188 : i32
      %mul3A_190 = arith.constant 8 : i32
      %mul3A_191 = arith.muli %shift_right_logical3A_187, %mul3A_190 : i32
      %add3A_192 = arith.addi %mul3A_2, %mul3A_191 : i32
      %mul3A_193 = arith.constant 2048 : i32
      %mul3A_194 = arith.muli %and3A_189, %mul3A_193 : i32
      %dma_start3A_195 = tpu.memref_slice %arg5[%add3A_192, %mul3A_194] : memref<4096x4096xf32, #tpu.memory_space<hbm>> -> memref<8x2048xf32, #tpu.memory_space<hbm>>
      %dma_start3A_196 = tpu.memref_slice %arg5[%add3A_192, %mul3A_194] : memref<4096x4096xf32, #tpu.memory_space<hbm>> -> memref<8x2048xf32, #tpu.memory_space<hbm>>
      tpu.enqueue_dma source(%arg9 : memref<8x2048xf32, #tpu.memory_space<vmem>>) target(%dma_start3A_196 : memref<8x2048xf32, #tpu.memory_space<hbm>>) target_semaphore(%arg18 : memref<!tpu.dma_semaphore, #tpu.memory_space<semaphore_mem>>)
      %mul3A_197 = arith.constant 3 : i32
      %mul3A_198 = arith.muli %mul3A_197, %scan3A_136 : i32
      %add3A_199 = arith.constant 1 : i32
      %add3A_200 = arith.addi %mul3A_198, %add3A_199 : i32
      %gt3A_201 = arith.constant 0 : i32
      %gt3A_202 = arith.cmpi sgt, %scan3A_136, %gt3A_201 : i32
      %add3A_203 = arith.constant 2 : i32
      %add3A_204 = arith.addi %add3A_200, %add3A_203 : i32
      %shift_right_logical3A_205 = arith.constant 1 : i32
      %shift_right_logical3A_206 = arith.shrui %add3A_204, %shift_right_logical3A_205 : i32
      %and3A_207 = arith.constant 1 : i32
      %and3A_208 = arith.andi %add3A_204, %and3A_207 : i32
      %mul3A_209 = arith.constant 8 : i32
      %mul3A_210 = arith.muli %shift_right_logical3A_206, %mul3A_209 : i32
      %add3A_211 = arith.addi %mul3A_2, %mul3A_210 : i32
      %mul3A_212 = arith.constant 2048 : i32
      %mul3A_213 = arith.muli %and3A_208, %mul3A_212 : i32
      %dma_start3A_214 = tpu.memref_slice %arg2[%add3A_211, %mul3A_213] : memref<4096x4096xf32, #tpu.memory_space<hbm>> -> memref<8x2048xf32, #tpu.memory_space<hbm>>
      %dma_start3A_215 = tpu.memref_slice %arg2[%add3A_211, %mul3A_213] : memref<4096x4096xf32, #tpu.memory_space<hbm>> -> memref<8x2048xf32, #tpu.memory_space<hbm>>
      tpu.enqueue_dma source(%dma_start3A_215 : memref<8x2048xf32, #tpu.memory_space<hbm>>) target(%arg6 : memref<8x2048xf32, #tpu.memory_space<vmem>>) target_semaphore(%arg15 : memref<!tpu.dma_semaphore, #tpu.memory_space<semaphore_mem>>)
      %shift_right_logical3A_216 = arith.constant 1 : i32
      %shift_right_logical3A_217 = arith.shrui %add3A_200, %shift_right_logical3A_216 : i32
      %and3A_218 = arith.constant 1 : i32
      %and3A_219 = arith.andi %add3A_200, %and3A_218 : i32
      %mul3A_220 = arith.constant 8 : i32
      %mul3A_221 = arith.muli %shift_right_logical3A_217, %mul3A_220 : i32
      %add3A_222 = arith.addi %mul3A_2, %mul3A_221 : i32
      %mul3A_223 = arith.constant 2048 : i32
      %mul3A_224 = arith.muli %and3A_219, %mul3A_223 : i32
      %dma_wait3A_225 = tpu.memref_slice %arg2[%add3A_222, %mul3A_224] : memref<4096x4096xf32, #tpu.memory_space<hbm>> -> memref<8x2048xf32, #tpu.memory_space<hbm>>
      %dma_wait3A_226 = tpu.memref_slice %arg2[%add3A_222, %mul3A_224] : memref<4096x4096xf32, #tpu.memory_space<hbm>> -> memref<8x2048xf32, #tpu.memory_space<hbm>>
      tpu.wait_dma2 semaphore(%arg16 : memref<!tpu.dma_semaphore, #tpu.memory_space<semaphore_mem>>) src(%dma_wait3A_226 : memref<8x2048xf32, #tpu.memory_space<hbm>>) dst(%arg7 : memref<8x2048xf32, #tpu.memory_space<vmem>>)
      %convert_element_type3A_227 = arith.extui %gt3A_202 : i1 to i32
      %cond3A_228 = arith.constant 0 : i32
      %cond3A_229 = arith.cmpi ne, %convert_element_type3A_227, %cond3A_228 : i32
      scf.if %cond3A_229 {
        %shift_right_logical3A_324 = arith.constant 1 : i32
        %shift_right_logical3A_325 = arith.shrui %add3A_200, %shift_right_logical3A_324 : i32
        %and3A_326 = arith.constant 1 : i32
        %and3A_327 = arith.andi %add3A_200, %and3A_326 : i32
        %mul3A_328 = arith.constant 8 : i32
        %mul3A_329 = arith.muli %shift_right_logical3A_325, %mul3A_328 : i32
        %add3A_330 = arith.addi %mul3A_2, %mul3A_329 : i32
        %mul3A_331 = arith.constant 2048 : i32
        %mul3A_332 = arith.muli %and3A_327, %mul3A_331 : i32
        %dma_wait3A_333 = tpu.memref_slice %arg5[%add3A_330, %mul3A_332] : memref<4096x4096xf32, #tpu.memory_space<hbm>> -> memref<8x2048xf32, #tpu.memory_space<hbm>>
        %dma_wait3A_334 = tpu.memref_slice %arg5[%add3A_330, %mul3A_332] : memref<4096x4096xf32, #tpu.memory_space<hbm>> -> memref<8x2048xf32, #tpu.memory_space<hbm>>
        tpu.wait_dma2 semaphore(%arg19 : memref<!tpu.dma_semaphore, #tpu.memory_space<semaphore_mem>>) src(%arg10 : memref<8x2048xf32, #tpu.memory_space<vmem>>) dst(%dma_wait3A_334 : memref<8x2048xf32, #tpu.memory_space<hbm>>)
      } else {
      }
      %parallel_loop3A_230 = arith.constant 0 : i32
      %parallel_loop3A_231 = arith.constant 8 : i32
      %parallel_loop3A_232 = arith.constant 1 : i32
      scf.for %parallel_loop3A_324 = %parallel_loop3A_230 to %parallel_loop3A_231 step %parallel_loop3A_232  : i32 {
        %parallel_loop3A_325 = arith.constant 0 : i32
        %parallel_loop3A_326 = arith.constant 2048 : i32
        %parallel_loop3A_327 = arith.constant 16 : i32
        scf.for %parallel_loop3A_328 = %parallel_loop3A_325 to %parallel_loop3A_326 step %parallel_loop3A_327  : i32 {
          %parallel_loop3A_329 = arith.index_cast %parallel_loop3A_324 : i32 to index
          %parallel_loop3A_330 = arith.index_cast %parallel_loop3A_328 : i32 to index
          %parallel_loop3A_331 = tpu.vector_load %arg7[%parallel_loop3A_329, %parallel_loop3A_330] {strides = array<i32>} : memref<8x2048xf32, #tpu.memory_space<vmem>>, vector<16xf32>,
          %parallel_loop3A_332 = arith.mulf %parallel_loop3A_331, %div3A_20 : vector<16xf32>
          %parallel_loop3A_333 = arith.constant -1.270000e+02 : f32
          %parallel_loop3A_334 = vector.broadcast %parallel_loop3A_333 : f32 to vector<16xf32>
          %parallel_loop3A_335 = arith.maximumf %parallel_loop3A_332, %parallel_loop3A_334 : vector<16xf32>
          %parallel_loop3A_336 = arith.constant 1.270000e+02 : f32
          %parallel_loop3A_337 = vector.broadcast %parallel_loop3A_336 : f32 to vector<16xf32>
          %parallel_loop3A_338 = arith.minimumf %parallel_loop3A_335, %parallel_loop3A_337 : vector<16xf32>
          %parallel_loop3A_339 = arith.constant 0x4B400000 : f32
          %parallel_loop3A_340 = vector.broadcast %parallel_loop3A_339 : f32 to vector<16xf32>
          %parallel_loop3A_341 = arith.addf %parallel_loop3A_338, %parallel_loop3A_340 : vector<16xf32>
          %parallel_loop3A_342 = arith.constant 0x4B400000 : f32
          %parallel_loop3A_343 = vector.broadcast %parallel_loop3A_342 : f32 to vector<16xf32>
          %parallel_loop3A_344 = arith.subf %parallel_loop3A_341, %parallel_loop3A_343 : vector<16xf32>
          %parallel_loop3A_345 = arith.mulf %parallel_loop3A_344, %max3A_18 : vector<16xf32>
          %parallel_loop3A_346 = arith.index_cast %parallel_loop3A_324 : i32 to index
          %parallel_loop3A_347 = arith.index_cast %parallel_loop3A_328 : i32 to index
          %parallel_loop3A_348 = tpu.vector_load %arg10[%parallel_loop3A_346, %parallel_loop3A_347] {strides = array<i32>} : memref<8x2048xf32, #tpu.memory_space<vmem>>, vector<16xf32>,
          tpu.vector_store %arg10[%parallel_loop3A_346, %parallel_loop3A_347], %parallel_loop3A_345 {strides = array<i32>} : memref<8x2048xf32, #tpu.memory_space<vmem>>, vector<16xf32>,
        } {sc.loop_unroll_factor = 8 : i64, sc.parallel_access}
      } {sc.loop_unroll_factor = 1 : i64, sc.parallel_access}
      %shift_right_logical3A_233 = arith.constant 1 : i32
      %shift_right_logical3A_234 = arith.shrui %add3A_200, %shift_right_logical3A_233 : i32
      %and3A_235 = arith.constant 1 : i32
      %and3A_236 = arith.andi %add3A_200, %and3A_235 : i32
      %while3A_237 = arith.constant 0 : i32
      %while3A_238 = arith.constant 0 : i32
      %while3A_239 = arith.subi %select_n3A, %while3A_237 : i32
      %while3A_240 = arith.addi %while3A_237, %while3A_239 : i32
      %while3A_241 = arith.constant 1 : i32
      %while3A_242 = arith.divsi %while3A_239, %while3A_241 : i32
      %while3A_243 = arith.muli %while3A_242, %while3A_241 : i32
      %while3A_244 = arith.addi %while3A_237, %while3A_243 : i32
      %while3A_245 = arith.constant 1 : i32
      %while3A_246 = scf.for %while3A_324 = %while3A_237 to %while3A_244 step %while3A_245 iter_args(%while3A_325 = %while3A_238) -> (i32)  : i32 {
        %mul3A_326 = arith.constant 16 : i32
        %mul3A_327 = arith.muli %while3A_324, %mul3A_326 : i32
        %get3A_328 = arith.index_cast %mul3A_327 : i32 to index
        %get3A_329 = tpu.vector_load %arg13[%get3A_328] {strides = array<i32>} : memref<1694xi32, #tpu.memory_space<vmem>>, vector<16xi32>,
        %shift_right_logical3A_330 = arith.constant 15 : i32
        %shift_right_logical3A_331 = vector.broadcast %shift_right_logical3A_330 : i32 to vector<16xi32>
        %shift_right_logical3A_332 = arith.shrui %get3A_329, %shift_right_logical3A_331 : vector<16xi32>
        %and3A_333 = arith.constant 4095 : i32
        %and3A_334 = vector.broadcast %and3A_333 : i32 to vector<16xi32>
        %and3A_335 = arith.andi %get3A_329, %and3A_334 : vector<16xi32>
        %shift_right_logical3A_336 = arith.constant 11 : i32
        %shift_right_logical3A_337 = vector.broadcast %shift_right_logical3A_336 : i32 to vector<16xi32>
        %shift_right_logical3A_338 = arith.shrui %and3A_335, %shift_right_logical3A_337 : vector<16xi32>
        %mul3A_339 = arith.constant 16 : i32
        %mul3A_340 = arith.muli %while3A_324, %mul3A_339 : i32
        %add3A_341 = vector.broadcast %mul3A_340 : i32 to vector<16xi32>
        %add3A_342 = arith.addi %add3A_341, %iota3A : vector<16xi32>
        %lt3A = vector.broadcast %scan3A_25 : i32 to vector<16xi32>
        %lt3A_343 = arith.cmpi slt, %add3A_342, %lt3A : vector<16xi32>
        %eq3A = vector.broadcast %shift_right_logical3A_234 : i32 to vector<16xi32>
        %eq3A_344 = arith.cmpi eq, %shift_right_logical3A_332, %eq3A : vector<16xi32>
        %and3A_345 = arith.andi %lt3A_343, %eq3A_344 : vector<16xi1>
        %eq3A_346 = vector.broadcast %and3A_236 : i32 to vector<16xi32>
        %eq3A_347 = arith.cmpi eq, %shift_right_logical3A_338, %eq3A_346 : vector<16xi32>
        %and3A_348 = arith.andi %and3A_345, %eq3A_347 : vector<16xi1>
        %shift_right_logical3A_349 = arith.constant 12 : i32
        %shift_right_logical3A_350 = vector.broadcast %shift_right_logical3A_349 : i32 to vector<16xi32>
        %shift_right_logical3A_351 = arith.shrui %get3A_329, %shift_right_logical3A_350 : vector<16xi32>
        %and3A_352 = arith.constant 7 : i32
        %and3A_353 = vector.broadcast %and3A_352 : i32 to vector<16xi32>
        %and3A_354 = arith.andi %shift_right_logical3A_351, %and3A_353 : vector<16xi32>
        %and3A_355 = arith.constant 2047 : i32
        %and3A_356 = vector.broadcast %and3A_355 : i32 to vector<16xi32>
        %and3A_357 = arith.andi %and3A_335, %and3A_356 : vector<16xi32>
        %gather3A = tpu.vector_load_idx %arg7[%and3A_354, %and3A_357] masked %and3A_348 : memref<8x2048xf32, #tpu.memory_space<vmem>>[vector<16xi32>, vector<16xi32>], vector<16xf32>, vector<16xi1>
        %mul3A_358 = arith.mulf %gather3A, %div3A_20 : vector<16xf32>
        %max3A_359 = arith.constant -1.270000e+02 : f32
        %max3A_360 = vector.broadcast %max3A_359 : f32 to vector<16xf32>
        %max3A_361 = arith.maximumf %mul3A_358, %max3A_360 : vector<16xf32>
        %min3A = arith.constant 1.270000e+02 : f32
        %min3A_362 = vector.broadcast %min3A : f32 to vector<16xf32>
        %min3A_363 = arith.minimumf %max3A_361, %min3A_362 : vector<16xf32>
        %convert_element_type3A_364 = arith.fptosi %min3A_363 : vector<16xf32> to vector<16xi32>
        %xor3A = arith.constant 128 : i32
        %xor3A_365 = vector.broadcast %xor3A : i32 to vector<16xi32>
        %xor3A_366 = arith.xori %convert_element_type3A_364, %xor3A_365 : vector<16xi32>
        %convert_element_type3A_367 = arith.sitofp %xor3A_366 : vector<16xi32> to vector<16xf32>
        %mul3A_368 = arith.mulf %convert_element_type3A_367, %max3A_18 : vector<16xf32>
        tpu.vector_store_idx %arg10[%and3A_354, %and3A_357], %mul3A_368 masked %and3A_348 : memref<8x2048xf32, #tpu.memory_space<vmem>>[vector<16xi32>, vector<16xi32>], vector<16xf32>, vector<16xi1>
        %while3A_369 = arith.constant 0 : i32
        scf.yield %while3A_369 : i32
      }
      %while3A_247 = arith.constant 1 : i32
      %while3A_248 = scf.for %while3A_324 = %while3A_244 to %while3A_240 step %while3A_247 iter_args(%while3A_325 = %while3A_246) -> (i32)  : i32 {
        %mul3A_326 = arith.constant 16 : i32
        %mul3A_327 = arith.muli %while3A_324, %mul3A_326 : i32
        %get3A_328 = arith.index_cast %mul3A_327 : i32 to index
        %get3A_329 = tpu.vector_load %arg13[%get3A_328] {strides = array<i32>} : memref<1694xi32, #tpu.memory_space<vmem>>, vector<16xi32>,
        %shift_right_logical3A_330 = arith.constant 15 : i32
        %shift_right_logical3A_331 = vector.broadcast %shift_right_logical3A_330 : i32 to vector<16xi32>
        %shift_right_logical3A_332 = arith.shrui %get3A_329, %shift_right_logical3A_331 : vector<16xi32>
        %and3A_333 = arith.constant 4095 : i32
        %and3A_334 = vector.broadcast %and3A_333 : i32 to vector<16xi32>
        %and3A_335 = arith.andi %get3A_329, %and3A_334 : vector<16xi32>
        %shift_right_logical3A_336 = arith.constant 11 : i32
        %shift_right_logical3A_337 = vector.broadcast %shift_right_logical3A_336 : i32 to vector<16xi32>
        %shift_right_logical3A_338 = arith.shrui %and3A_335, %shift_right_logical3A_337 : vector<16xi32>
        %mul3A_339 = arith.constant 16 : i32
        %mul3A_340 = arith.muli %while3A_324, %mul3A_339 : i32
        %add3A_341 = vector.broadcast %mul3A_340 : i32 to vector<16xi32>
        %add3A_342 = arith.addi %add3A_341, %iota3A : vector<16xi32>
        %lt3A = vector.broadcast %scan3A_25 : i32 to vector<16xi32>
        %lt3A_343 = arith.cmpi slt, %add3A_342, %lt3A : vector<16xi32>
        %eq3A = vector.broadcast %shift_right_logical3A_234 : i32 to vector<16xi32>
        %eq3A_344 = arith.cmpi eq, %shift_right_logical3A_332, %eq3A : vector<16xi32>
        %and3A_345 = arith.andi %lt3A_343, %eq3A_344 : vector<16xi1>
        %eq3A_346 = vector.broadcast %and3A_236 : i32 to vector<16xi32>
        %eq3A_347 = arith.cmpi eq, %shift_right_logical3A_338, %eq3A_346 : vector<16xi32>
        %and3A_348 = arith.andi %and3A_345, %eq3A_347 : vector<16xi1>
        %shift_right_logical3A_349 = arith.constant 12 : i32
        %shift_right_logical3A_350 = vector.broadcast %shift_right_logical3A_349 : i32 to vector<16xi32>
        %shift_right_logical3A_351 = arith.shrui %get3A_329, %shift_right_logical3A_350 : vector<16xi32>
        %and3A_352 = arith.constant 7 : i32
        %and3A_353 = vector.broadcast %and3A_352 : i32 to vector<16xi32>
        %and3A_354 = arith.andi %shift_right_logical3A_351, %and3A_353 : vector<16xi32>
        %and3A_355 = arith.constant 2047 : i32
        %and3A_356 = vector.broadcast %and3A_355 : i32 to vector<16xi32>
        %and3A_357 = arith.andi %and3A_335, %and3A_356 : vector<16xi32>
        %gather3A = tpu.vector_load_idx %arg7[%and3A_354, %and3A_357] masked %and3A_348 : memref<8x2048xf32, #tpu.memory_space<vmem>>[vector<16xi32>, vector<16xi32>], vector<16xf32>, vector<16xi1>
        %mul3A_358 = arith.mulf %gather3A, %div3A_20 : vector<16xf32>
        %max3A_359 = arith.constant -1.270000e+02 : f32
        %max3A_360 = vector.broadcast %max3A_359 : f32 to vector<16xf32>
        %max3A_361 = arith.maximumf %mul3A_358, %max3A_360 : vector<16xf32>
        %min3A = arith.constant 1.270000e+02 : f32
        %min3A_362 = vector.broadcast %min3A : f32 to vector<16xf32>
        %min3A_363 = arith.minimumf %max3A_361, %min3A_362 : vector<16xf32>
        %convert_element_type3A_364 = arith.fptosi %min3A_363 : vector<16xf32> to vector<16xi32>
        %xor3A = arith.constant 128 : i32
        %xor3A_365 = vector.broadcast %xor3A : i32 to vector<16xi32>
        %xor3A_366 = arith.xori %convert_element_type3A_364, %xor3A_365 : vector<16xi32>
        %convert_element_type3A_367 = arith.sitofp %xor3A_366 : vector<16xi32> to vector<16xf32>
        %mul3A_368 = arith.mulf %convert_element_type3A_367, %max3A_18 : vector<16xf32>
        tpu.vector_store_idx %arg10[%and3A_354, %and3A_357], %mul3A_368 masked %and3A_348 : memref<8x2048xf32, #tpu.memory_space<vmem>>[vector<16xi32>, vector<16xi32>], vector<16xf32>, vector<16xi1>
        %while3A_369 = arith.constant 0 : i32
        scf.yield %while3A_369 : i32
      }
      %shift_right_logical3A_249 = arith.constant 1 : i32
      %shift_right_logical3A_250 = arith.shrui %add3A_200, %shift_right_logical3A_249 : i32
      %and3A_251 = arith.constant 1 : i32
      %and3A_252 = arith.andi %add3A_200, %and3A_251 : i32
      %mul3A_253 = arith.constant 8 : i32
      %mul3A_254 = arith.muli %shift_right_logical3A_250, %mul3A_253 : i32
      %add3A_255 = arith.addi %mul3A_2, %mul3A_254 : i32
      %mul3A_256 = arith.constant 2048 : i32
      %mul3A_257 = arith.muli %and3A_252, %mul3A_256 : i32
      %dma_start3A_258 = tpu.memref_slice %arg5[%add3A_255, %mul3A_257] : memref<4096x4096xf32, #tpu.memory_space<hbm>> -> memref<8x2048xf32, #tpu.memory_space<hbm>>
      %dma_start3A_259 = tpu.memref_slice %arg5[%add3A_255, %mul3A_257] : memref<4096x4096xf32, #tpu.memory_space<hbm>> -> memref<8x2048xf32, #tpu.memory_space<hbm>>
      tpu.enqueue_dma source(%arg10 : memref<8x2048xf32, #tpu.memory_space<vmem>>) target(%dma_start3A_259 : memref<8x2048xf32, #tpu.memory_space<hbm>>) target_semaphore(%arg19 : memref<!tpu.dma_semaphore, #tpu.memory_space<semaphore_mem>>)
      %mul3A_260 = arith.constant 3 : i32
      %mul3A_261 = arith.muli %mul3A_260, %scan3A_136 : i32
      %add3A_262 = arith.constant 2 : i32
      %add3A_263 = arith.addi %mul3A_261, %add3A_262 : i32
      %gt3A_264 = arith.constant 0 : i32
      %gt3A_265 = arith.cmpi sgt, %scan3A_136, %gt3A_264 : i32
      %add3A_266 = arith.constant 2 : i32
      %add3A_267 = arith.addi %add3A_263, %add3A_266 : i32
      %shift_right_logical3A_268 = arith.constant 1 : i32
      %shift_right_logical3A_269 = arith.shrui %add3A_267, %shift_right_logical3A_268 : i32
      %and3A_270 = arith.constant 1 : i32
      %and3A_271 = arith.andi %add3A_267, %and3A_270 : i32
      %mul3A_272 = arith.constant 8 : i32
      %mul3A_273 = arith.muli %shift_right_logical3A_269, %mul3A_272 : i32
      %add3A_274 = arith.addi %mul3A_2, %mul3A_273 : i32
      %mul3A_275 = arith.constant 2048 : i32
      %mul3A_276 = arith.muli %and3A_271, %mul3A_275 : i32
      %dma_start3A_277 = tpu.memref_slice %arg2[%add3A_274, %mul3A_276] : memref<4096x4096xf32, #tpu.memory_space<hbm>> -> memref<8x2048xf32, #tpu.memory_space<hbm>>
      %dma_start3A_278 = tpu.memref_slice %arg2[%add3A_274, %mul3A_276] : memref<4096x4096xf32, #tpu.memory_space<hbm>> -> memref<8x2048xf32, #tpu.memory_space<hbm>>
      tpu.enqueue_dma source(%dma_start3A_278 : memref<8x2048xf32, #tpu.memory_space<hbm>>) target(%arg7 : memref<8x2048xf32, #tpu.memory_space<vmem>>) target_semaphore(%arg16 : memref<!tpu.dma_semaphore, #tpu.memory_space<semaphore_mem>>)
      %shift_right_logical3A_279 = arith.constant 1 : i32
      %shift_right_logical3A_280 = arith.shrui %add3A_263, %shift_right_logical3A_279 : i32
      %and3A_281 = arith.constant 1 : i32
      %and3A_282 = arith.andi %add3A_263, %and3A_281 : i32
      %mul3A_283 = arith.constant 8 : i32
      %mul3A_284 = arith.muli %shift_right_logical3A_280, %mul3A_283 : i32
      %add3A_285 = arith.addi %mul3A_2, %mul3A_284 : i32
      %mul3A_286 = arith.constant 2048 : i32
      %mul3A_287 = arith.muli %and3A_282, %mul3A_286 : i32
      %dma_wait3A_288 = tpu.memref_slice %arg2[%add3A_285, %mul3A_287] : memref<4096x4096xf32, #tpu.memory_space<hbm>> -> memref<8x2048xf32, #tpu.memory_space<hbm>>
      %dma_wait3A_289 = tpu.memref_slice %arg2[%add3A_285, %mul3A_287] : memref<4096x4096xf32, #tpu.memory_space<hbm>> -> memref<8x2048xf32, #tpu.memory_space<hbm>>
      tpu.wait_dma2 semaphore(%arg17 : memref<!tpu.dma_semaphore, #tpu.memory_space<semaphore_mem>>) src(%dma_wait3A_289 : memref<8x2048xf32, #tpu.memory_space<hbm>>) dst(%arg8 : memref<8x2048xf32, #tpu.memory_space<vmem>>)
      %convert_element_type3A_290 = arith.extui %gt3A_265 : i1 to i32
      %cond3A_291 = arith.constant 0 : i32
      %cond3A_292 = arith.cmpi ne, %convert_element_type3A_290, %cond3A_291 : i32
      scf.if %cond3A_292 {
        %shift_right_logical3A_324 = arith.constant 1 : i32
        %shift_right_logical3A_325 = arith.shrui %add3A_263, %shift_right_logical3A_324 : i32
        %and3A_326 = arith.constant 1 : i32
        %and3A_327 = arith.andi %add3A_263, %and3A_326 : i32
        %mul3A_328 = arith.constant 8 : i32
        %mul3A_329 = arith.muli %shift_right_logical3A_325, %mul3A_328 : i32
        %add3A_330 = arith.addi %mul3A_2, %mul3A_329 : i32
        %mul3A_331 = arith.constant 2048 : i32
        %mul3A_332 = arith.muli %and3A_327, %mul3A_331 : i32
        %dma_wait3A_333 = tpu.memref_slice %arg5[%add3A_330, %mul3A_332] : memref<4096x4096xf32, #tpu.memory_space<hbm>> -> memref<8x2048xf32, #tpu.memory_space<hbm>>
        %dma_wait3A_334 = tpu.memref_slice %arg5[%add3A_330, %mul3A_332] : memref<4096x4096xf32, #tpu.memory_space<hbm>> -> memref<8x2048xf32, #tpu.memory_space<hbm>>
        tpu.wait_dma2 semaphore(%arg20 : memref<!tpu.dma_semaphore, #tpu.memory_space<semaphore_mem>>) src(%arg11 : memref<8x2048xf32, #tpu.memory_space<vmem>>) dst(%dma_wait3A_334 : memref<8x2048xf32, #tpu.memory_space<hbm>>)
      } else {
      }
      %parallel_loop3A_293 = arith.constant 0 : i32
      %parallel_loop3A_294 = arith.constant 8 : i32
      %parallel_loop3A_295 = arith.constant 1 : i32
      scf.for %parallel_loop3A_324 = %parallel_loop3A_293 to %parallel_loop3A_294 step %parallel_loop3A_295  : i32 {
        %parallel_loop3A_325 = arith.constant 0 : i32
        %parallel_loop3A_326 = arith.constant 2048 : i32
        %parallel_loop3A_327 = arith.constant 16 : i32
        scf.for %parallel_loop3A_328 = %parallel_loop3A_325 to %parallel_loop3A_326 step %parallel_loop3A_327  : i32 {
          %parallel_loop3A_329 = arith.index_cast %parallel_loop3A_324 : i32 to index
          %parallel_loop3A_330 = arith.index_cast %parallel_loop3A_328 : i32 to index
          %parallel_loop3A_331 = tpu.vector_load %arg8[%parallel_loop3A_329, %parallel_loop3A_330] {strides = array<i32>} : memref<8x2048xf32, #tpu.memory_space<vmem>>, vector<16xf32>,
          %parallel_loop3A_332 = arith.mulf %parallel_loop3A_331, %div3A_20 : vector<16xf32>
          %parallel_loop3A_333 = arith.constant -1.270000e+02 : f32
          %parallel_loop3A_334 = vector.broadcast %parallel_loop3A_333 : f32 to vector<16xf32>
          %parallel_loop3A_335 = arith.maximumf %parallel_loop3A_332, %parallel_loop3A_334 : vector<16xf32>
          %parallel_loop3A_336 = arith.constant 1.270000e+02 : f32
          %parallel_loop3A_337 = vector.broadcast %parallel_loop3A_336 : f32 to vector<16xf32>
          %parallel_loop3A_338 = arith.minimumf %parallel_loop3A_335, %parallel_loop3A_337 : vector<16xf32>
          %parallel_loop3A_339 = arith.constant 0x4B400000 : f32
          %parallel_loop3A_340 = vector.broadcast %parallel_loop3A_339 : f32 to vector<16xf32>
          %parallel_loop3A_341 = arith.addf %parallel_loop3A_338, %parallel_loop3A_340 : vector<16xf32>
          %parallel_loop3A_342 = arith.constant 0x4B400000 : f32
          %parallel_loop3A_343 = vector.broadcast %parallel_loop3A_342 : f32 to vector<16xf32>
          %parallel_loop3A_344 = arith.subf %parallel_loop3A_341, %parallel_loop3A_343 : vector<16xf32>
          %parallel_loop3A_345 = arith.mulf %parallel_loop3A_344, %max3A_18 : vector<16xf32>
          %parallel_loop3A_346 = arith.index_cast %parallel_loop3A_324 : i32 to index
          %parallel_loop3A_347 = arith.index_cast %parallel_loop3A_328 : i32 to index
          %parallel_loop3A_348 = tpu.vector_load %arg11[%parallel_loop3A_346, %parallel_loop3A_347] {strides = array<i32>} : memref<8x2048xf32, #tpu.memory_space<vmem>>, vector<16xf32>,
          tpu.vector_store %arg11[%parallel_loop3A_346, %parallel_loop3A_347], %parallel_loop3A_345 {strides = array<i32>} : memref<8x2048xf32, #tpu.memory_space<vmem>>, vector<16xf32>,
        } {sc.loop_unroll_factor = 8 : i64, sc.parallel_access}
      } {sc.loop_unroll_factor = 1 : i64, sc.parallel_access}
      %shift_right_logical3A_296 = arith.constant 1 : i32
      %shift_right_logical3A_297 = arith.shrui %add3A_263, %shift_right_logical3A_296 : i32
      %and3A_298 = arith.constant 1 : i32
      %and3A_299 = arith.andi %add3A_263, %and3A_298 : i32
      %while3A_300 = arith.constant 0 : i32
      %while3A_301 = arith.constant 0 : i32
      %while3A_302 = arith.subi %select_n3A, %while3A_300 : i32
      %while3A_303 = arith.addi %while3A_300, %while3A_302 : i32
      %while3A_304 = arith.constant 1 : i32
      %while3A_305 = arith.divsi %while3A_302, %while3A_304 : i32
      %while3A_306 = arith.muli %while3A_305, %while3A_304 : i32
      %while3A_307 = arith.addi %while3A_300, %while3A_306 : i32
      %while3A_308 = arith.constant 1 : i32
      %while3A_309 = scf.for %while3A_324 = %while3A_300 to %while3A_307 step %while3A_308 iter_args(%while3A_325 = %while3A_301) -> (i32)  : i32 {
        %mul3A_326 = arith.constant 16 : i32
        %mul3A_327 = arith.muli %while3A_324, %mul3A_326 : i32
        %get3A_328 = arith.index_cast %mul3A_327 : i32 to index
        %get3A_329 = tpu.vector_load %arg13[%get3A_328] {strides = array<i32>} : memref<1694xi32, #tpu.memory_space<vmem>>, vector<16xi32>,
        %shift_right_logical3A_330 = arith.constant 15 : i32
        %shift_right_logical3A_331 = vector.broadcast %shift_right_logical3A_330 : i32 to vector<16xi32>
        %shift_right_logical3A_332 = arith.shrui %get3A_329, %shift_right_logical3A_331 : vector<16xi32>
        %and3A_333 = arith.constant 4095 : i32
        %and3A_334 = vector.broadcast %and3A_333 : i32 to vector<16xi32>
        %and3A_335 = arith.andi %get3A_329, %and3A_334 : vector<16xi32>
        %shift_right_logical3A_336 = arith.constant 11 : i32
        %shift_right_logical3A_337 = vector.broadcast %shift_right_logical3A_336 : i32 to vector<16xi32>
        %shift_right_logical3A_338 = arith.shrui %and3A_335, %shift_right_logical3A_337 : vector<16xi32>
        %mul3A_339 = arith.constant 16 : i32
        %mul3A_340 = arith.muli %while3A_324, %mul3A_339 : i32
        %add3A_341 = vector.broadcast %mul3A_340 : i32 to vector<16xi32>
        %add3A_342 = arith.addi %add3A_341, %iota3A : vector<16xi32>
        %lt3A = vector.broadcast %scan3A_25 : i32 to vector<16xi32>
        %lt3A_343 = arith.cmpi slt, %add3A_342, %lt3A : vector<16xi32>
        %eq3A = vector.broadcast %shift_right_logical3A_297 : i32 to vector<16xi32>
        %eq3A_344 = arith.cmpi eq, %shift_right_logical3A_332, %eq3A : vector<16xi32>
        %and3A_345 = arith.andi %lt3A_343, %eq3A_344 : vector<16xi1>
        %eq3A_346 = vector.broadcast %and3A_299 : i32 to vector<16xi32>
        %eq3A_347 = arith.cmpi eq, %shift_right_logical3A_338, %eq3A_346 : vector<16xi32>
        %and3A_348 = arith.andi %and3A_345, %eq3A_347 : vector<16xi1>
        %shift_right_logical3A_349 = arith.constant 12 : i32
        %shift_right_logical3A_350 = vector.broadcast %shift_right_logical3A_349 : i32 to vector<16xi32>
        %shift_right_logical3A_351 = arith.shrui %get3A_329, %shift_right_logical3A_350 : vector<16xi32>
        %and3A_352 = arith.constant 7 : i32
        %and3A_353 = vector.broadcast %and3A_352 : i32 to vector<16xi32>
        %and3A_354 = arith.andi %shift_right_logical3A_351, %and3A_353 : vector<16xi32>
        %and3A_355 = arith.constant 2047 : i32
        %and3A_356 = vector.broadcast %and3A_355 : i32 to vector<16xi32>
        %and3A_357 = arith.andi %and3A_335, %and3A_356 : vector<16xi32>
        %gather3A = tpu.vector_load_idx %arg8[%and3A_354, %and3A_357] masked %and3A_348 : memref<8x2048xf32, #tpu.memory_space<vmem>>[vector<16xi32>, vector<16xi32>], vector<16xf32>, vector<16xi1>
        %mul3A_358 = arith.mulf %gather3A, %div3A_20 : vector<16xf32>
        %max3A_359 = arith.constant -1.270000e+02 : f32
        %max3A_360 = vector.broadcast %max3A_359 : f32 to vector<16xf32>
        %max3A_361 = arith.maximumf %mul3A_358, %max3A_360 : vector<16xf32>
        %min3A = arith.constant 1.270000e+02 : f32
        %min3A_362 = vector.broadcast %min3A : f32 to vector<16xf32>
        %min3A_363 = arith.minimumf %max3A_361, %min3A_362 : vector<16xf32>
        %convert_element_type3A_364 = arith.fptosi %min3A_363 : vector<16xf32> to vector<16xi32>
        %xor3A = arith.constant 128 : i32
        %xor3A_365 = vector.broadcast %xor3A : i32 to vector<16xi32>
        %xor3A_366 = arith.xori %convert_element_type3A_364, %xor3A_365 : vector<16xi32>
        %convert_element_type3A_367 = arith.sitofp %xor3A_366 : vector<16xi32> to vector<16xf32>
        %mul3A_368 = arith.mulf %convert_element_type3A_367, %max3A_18 : vector<16xf32>
        tpu.vector_store_idx %arg11[%and3A_354, %and3A_357], %mul3A_368 masked %and3A_348 : memref<8x2048xf32, #tpu.memory_space<vmem>>[vector<16xi32>, vector<16xi32>], vector<16xf32>, vector<16xi1>
        %while3A_369 = arith.constant 0 : i32
        scf.yield %while3A_369 : i32
      }
      %while3A_310 = arith.constant 1 : i32
      %while3A_311 = scf.for %while3A_324 = %while3A_307 to %while3A_303 step %while3A_310 iter_args(%while3A_325 = %while3A_309) -> (i32)  : i32 {
        %mul3A_326 = arith.constant 16 : i32
        %mul3A_327 = arith.muli %while3A_324, %mul3A_326 : i32
        %get3A_328 = arith.index_cast %mul3A_327 : i32 to index
        %get3A_329 = tpu.vector_load %arg13[%get3A_328] {strides = array<i32>} : memref<1694xi32, #tpu.memory_space<vmem>>, vector<16xi32>,
        %shift_right_logical3A_330 = arith.constant 15 : i32
        %shift_right_logical3A_331 = vector.broadcast %shift_right_logical3A_330 : i32 to vector<16xi32>
        %shift_right_logical3A_332 = arith.shrui %get3A_329, %shift_right_logical3A_331 : vector<16xi32>
        %and3A_333 = arith.constant 4095 : i32
        %and3A_334 = vector.broadcast %and3A_333 : i32 to vector<16xi32>
        %and3A_335 = arith.andi %get3A_329, %and3A_334 : vector<16xi32>
        %shift_right_logical3A_336 = arith.constant 11 : i32
        %shift_right_logical3A_337 = vector.broadcast %shift_right_logical3A_336 : i32 to vector<16xi32>
        %shift_right_logical3A_338 = arith.shrui %and3A_335, %shift_right_logical3A_337 : vector<16xi32>
        %mul3A_339 = arith.constant 16 : i32
        %mul3A_340 = arith.muli %while3A_324, %mul3A_339 : i32
        %add3A_341 = vector.broadcast %mul3A_340 : i32 to vector<16xi32>
        %add3A_342 = arith.addi %add3A_341, %iota3A : vector<16xi32>
        %lt3A = vector.broadcast %scan3A_25 : i32 to vector<16xi32>
        %lt3A_343 = arith.cmpi slt, %add3A_342, %lt3A : vector<16xi32>
        %eq3A = vector.broadcast %shift_right_logical3A_297 : i32 to vector<16xi32>
        %eq3A_344 = arith.cmpi eq, %shift_right_logical3A_332, %eq3A : vector<16xi32>
        %and3A_345 = arith.andi %lt3A_343, %eq3A_344 : vector<16xi1>
        %eq3A_346 = vector.broadcast %and3A_299 : i32 to vector<16xi32>
        %eq3A_347 = arith.cmpi eq, %shift_right_logical3A_338, %eq3A_346 : vector<16xi32>
        %and3A_348 = arith.andi %and3A_345, %eq3A_347 : vector<16xi1>
        %shift_right_logical3A_349 = arith.constant 12 : i32
        %shift_right_logical3A_350 = vector.broadcast %shift_right_logical3A_349 : i32 to vector<16xi32>
        %shift_right_logical3A_351 = arith.shrui %get3A_329, %shift_right_logical3A_350 : vector<16xi32>
        %and3A_352 = arith.constant 7 : i32
        %and3A_353 = vector.broadcast %and3A_352 : i32 to vector<16xi32>
        %and3A_354 = arith.andi %shift_right_logical3A_351, %and3A_353 : vector<16xi32>
        %and3A_355 = arith.constant 2047 : i32
        %and3A_356 = vector.broadcast %and3A_355 : i32 to vector<16xi32>
        %and3A_357 = arith.andi %and3A_335, %and3A_356 : vector<16xi32>
        %gather3A = tpu.vector_load_idx %arg8[%and3A_354, %and3A_357] masked %and3A_348 : memref<8x2048xf32, #tpu.memory_space<vmem>>[vector<16xi32>, vector<16xi32>], vector<16xf32>, vector<16xi1>
        %mul3A_358 = arith.mulf %gather3A, %div3A_20 : vector<16xf32>
        %max3A_359 = arith.constant -1.270000e+02 : f32
        %max3A_360 = vector.broadcast %max3A_359 : f32 to vector<16xf32>
        %max3A_361 = arith.maximumf %mul3A_358, %max3A_360 : vector<16xf32>
        %min3A = arith.constant 1.270000e+02 : f32
        %min3A_362 = vector.broadcast %min3A : f32 to vector<16xf32>
        %min3A_363 = arith.minimumf %max3A_361, %min3A_362 : vector<16xf32>
        %convert_element_type3A_364 = arith.fptosi %min3A_363 : vector<16xf32> to vector<16xi32>
        %xor3A = arith.constant 128 : i32
        %xor3A_365 = vector.broadcast %xor3A : i32 to vector<16xi32>
        %xor3A_366 = arith.xori %convert_element_type3A_364, %xor3A_365 : vector<16xi32>
        %convert_element_type3A_367 = arith.sitofp %xor3A_366 : vector<16xi32> to vector<16xf32>
        %mul3A_368 = arith.mulf %convert_element_type3A_367, %max3A_18 : vector<16xf32>
        tpu.vector_store_idx %arg11[%and3A_354, %and3A_357], %mul3A_368 masked %and3A_348 : memref<8x2048xf32, #tpu.memory_space<vmem>>[vector<16xi32>, vector<16xi32>], vector<16xf32>, vector<16xi1>
        %while3A_369 = arith.constant 0 : i32
        scf.yield %while3A_369 : i32
      }
      %shift_right_logical3A_312 = arith.constant 1 : i32
      %shift_right_logical3A_313 = arith.shrui %add3A_263, %shift_right_logical3A_312 : i32
      %and3A_314 = arith.constant 1 : i32
      %and3A_315 = arith.andi %add3A_263, %and3A_314 : i32
      %mul3A_316 = arith.constant 8 : i32
      %mul3A_317 = arith.muli %shift_right_logical3A_313, %mul3A_316 : i32
      %add3A_318 = arith.addi %mul3A_2, %mul3A_317 : i32
      %mul3A_319 = arith.constant 2048 : i32
      %mul3A_320 = arith.muli %and3A_315, %mul3A_319 : i32
      %dma_start3A_321 = tpu.memref_slice %arg5[%add3A_318, %mul3A_320] : memref<4096x4096xf32, #tpu.memory_space<hbm>> -> memref<8x2048xf32, #tpu.memory_space<hbm>>
      %dma_start3A_322 = tpu.memref_slice %arg5[%add3A_318, %mul3A_320] : memref<4096x4096xf32, #tpu.memory_space<hbm>> -> memref<8x2048xf32, #tpu.memory_space<hbm>>
      tpu.enqueue_dma source(%arg11 : memref<8x2048xf32, #tpu.memory_space<vmem>>) target(%dma_start3A_322 : memref<8x2048xf32, #tpu.memory_space<hbm>>) target_semaphore(%arg20 : memref<!tpu.dma_semaphore, #tpu.memory_space<semaphore_mem>>)
      %scan3A_323 = arith.constant 0 : i32
      scf.yield %scan3A_323 : i32
    }
    %scan3A_54 = arith.constant 10 : i32
    %add3A_55 = arith.constant 120 : i32
    %add3A_56 = arith.addi %mul3A_2, %add3A_55 : i32
    %dma_wait3A = arith.constant 0 : i32
    %dma_wait3A_57 = tpu.memref_slice %arg2[%add3A_56, %dma_wait3A] : memref<4096x4096xf32, #tpu.memory_space<hbm>> -> memref<8x2048xf32, #tpu.memory_space<hbm>>
    %dma_wait3A_58 = arith.constant 0 : i32
    %dma_wait3A_59 = tpu.memref_slice %arg2[%add3A_56, %dma_wait3A_58] : memref<4096x4096xf32, #tpu.memory_space<hbm>> -> memref<8x2048xf32, #tpu.memory_space<hbm>>
    tpu.wait_dma2 semaphore(%arg15 : memref<!tpu.dma_semaphore, #tpu.memory_space<semaphore_mem>>) src(%dma_wait3A_59 : memref<8x2048xf32, #tpu.memory_space<hbm>>) dst(%arg6 : memref<8x2048xf32, #tpu.memory_space<vmem>>)
    %add3A_60 = arith.constant 120 : i32
    %add3A_61 = arith.addi %mul3A_2, %add3A_60 : i32
    %dma_wait3A_62 = arith.constant 0 : i32
    %dma_wait3A_63 = tpu.memref_slice %arg5[%add3A_61, %dma_wait3A_62] : memref<4096x4096xf32, #tpu.memory_space<hbm>> -> memref<8x2048xf32, #tpu.memory_space<hbm>>
    %dma_wait3A_64 = arith.constant 0 : i32
    %dma_wait3A_65 = tpu.memref_slice %arg5[%add3A_61, %dma_wait3A_64] : memref<4096x4096xf32, #tpu.memory_space<hbm>> -> memref<8x2048xf32, #tpu.memory_space<hbm>>
    tpu.wait_dma2 semaphore(%arg18 : memref<!tpu.dma_semaphore, #tpu.memory_space<semaphore_mem>>) src(%arg9 : memref<8x2048xf32, #tpu.memory_space<vmem>>) dst(%dma_wait3A_65 : memref<8x2048xf32, #tpu.memory_space<hbm>>)
    %parallel_loop3A = arith.constant 0 : i32
    %parallel_loop3A_66 = arith.constant 8 : i32
    %parallel_loop3A_67 = arith.constant 1 : i32
    scf.for %parallel_loop3A_136 = %parallel_loop3A to %parallel_loop3A_66 step %parallel_loop3A_67  : i32 {
      %parallel_loop3A_137 = arith.constant 0 : i32
      %parallel_loop3A_138 = arith.constant 2048 : i32
      %parallel_loop3A_139 = arith.constant 16 : i32
      scf.for %parallel_loop3A_140 = %parallel_loop3A_137 to %parallel_loop3A_138 step %parallel_loop3A_139  : i32 {
        %parallel_loop3A_141 = arith.index_cast %parallel_loop3A_136 : i32 to index
        %parallel_loop3A_142 = arith.index_cast %parallel_loop3A_140 : i32 to index
        %parallel_loop3A_143 = tpu.vector_load %arg6[%parallel_loop3A_141, %parallel_loop3A_142] {strides = array<i32>} : memref<8x2048xf32, #tpu.memory_space<vmem>>, vector<16xf32>,
        %parallel_loop3A_144 = arith.mulf %parallel_loop3A_143, %div3A_20 : vector<16xf32>
        %parallel_loop3A_145 = arith.constant -1.270000e+02 : f32
        %parallel_loop3A_146 = vector.broadcast %parallel_loop3A_145 : f32 to vector<16xf32>
        %parallel_loop3A_147 = arith.maximumf %parallel_loop3A_144, %parallel_loop3A_146 : vector<16xf32>
        %parallel_loop3A_148 = arith.constant 1.270000e+02 : f32
        %parallel_loop3A_149 = vector.broadcast %parallel_loop3A_148 : f32 to vector<16xf32>
        %parallel_loop3A_150 = arith.minimumf %parallel_loop3A_147, %parallel_loop3A_149 : vector<16xf32>
        %parallel_loop3A_151 = arith.constant 0x4B400000 : f32
        %parallel_loop3A_152 = vector.broadcast %parallel_loop3A_151 : f32 to vector<16xf32>
        %parallel_loop3A_153 = arith.addf %parallel_loop3A_150, %parallel_loop3A_152 : vector<16xf32>
        %parallel_loop3A_154 = arith.constant 0x4B400000 : f32
        %parallel_loop3A_155 = vector.broadcast %parallel_loop3A_154 : f32 to vector<16xf32>
        %parallel_loop3A_156 = arith.subf %parallel_loop3A_153, %parallel_loop3A_155 : vector<16xf32>
        %parallel_loop3A_157 = arith.mulf %parallel_loop3A_156, %max3A_18 : vector<16xf32>
        %parallel_loop3A_158 = arith.index_cast %parallel_loop3A_136 : i32 to index
        %parallel_loop3A_159 = arith.index_cast %parallel_loop3A_140 : i32 to index
        %parallel_loop3A_160 = tpu.vector_load %arg9[%parallel_loop3A_158, %parallel_loop3A_159] {strides = array<i32>} : memref<8x2048xf32, #tpu.memory_space<vmem>>, vector<16xf32>,
        tpu.vector_store %arg9[%parallel_loop3A_158, %parallel_loop3A_159], %parallel_loop3A_157 {strides = array<i32>} : memref<8x2048xf32, #tpu.memory_space<vmem>>, vector<16xf32>,
      } {sc.loop_unroll_factor = 8 : i64, sc.parallel_access}
    } {sc.loop_unroll_factor = 1 : i64, sc.parallel_access}
    %while3A = arith.constant 0 : i32
    %while3A_68 = arith.constant 0 : i32
    %while3A_69 = arith.subi %select_n3A, %while3A : i32
    %while3A_70 = arith.addi %while3A, %while3A_69 : i32
    %while3A_71 = arith.constant 1 : i32
    %while3A_72 = arith.divsi %while3A_69, %while3A_71 : i32
    %while3A_73 = arith.muli %while3A_72, %while3A_71 : i32
    %while3A_74 = arith.addi %while3A, %while3A_73 : i32
    %while3A_75 = arith.constant 1 : i32
    %while3A_76 = scf.for %while3A_136 = %while3A to %while3A_74 step %while3A_75 iter_args(%while3A_137 = %while3A_68) -> (i32)  : i32 {
      %mul3A_138 = arith.constant 16 : i32
      %mul3A_139 = arith.muli %while3A_136, %mul3A_138 : i32
      %get3A_140 = arith.index_cast %mul3A_139 : i32 to index
      %get3A_141 = tpu.vector_load %arg13[%get3A_140] {strides = array<i32>} : memref<1694xi32, #tpu.memory_space<vmem>>, vector<16xi32>,
      %shift_right_logical3A = arith.constant 15 : i32
      %shift_right_logical3A_142 = vector.broadcast %shift_right_logical3A : i32 to vector<16xi32>
      %shift_right_logical3A_143 = arith.shrui %get3A_141, %shift_right_logical3A_142 : vector<16xi32>
      %and3A_144 = arith.constant 4095 : i32
      %and3A_145 = vector.broadcast %and3A_144 : i32 to vector<16xi32>
      %and3A_146 = arith.andi %get3A_141, %and3A_145 : vector<16xi32>
      %shift_right_logical3A_147 = arith.constant 11 : i32
      %shift_right_logical3A_148 = vector.broadcast %shift_right_logical3A_147 : i32 to vector<16xi32>
      %shift_right_logical3A_149 = arith.shrui %and3A_146, %shift_right_logical3A_148 : vector<16xi32>
      %mul3A_150 = arith.constant 16 : i32
      %mul3A_151 = arith.muli %while3A_136, %mul3A_150 : i32
      %add3A_152 = vector.broadcast %mul3A_151 : i32 to vector<16xi32>
      %add3A_153 = arith.addi %add3A_152, %iota3A : vector<16xi32>
      %lt3A = vector.broadcast %scan3A_25 : i32 to vector<16xi32>
      %lt3A_154 = arith.cmpi slt, %add3A_153, %lt3A : vector<16xi32>
      %eq3A = arith.constant 15 : i32
      %eq3A_155 = vector.broadcast %eq3A : i32 to vector<16xi32>
      %eq3A_156 = arith.cmpi eq, %shift_right_logical3A_143, %eq3A_155 : vector<16xi32>
      %and3A_157 = arith.andi %lt3A_154, %eq3A_156 : vector<16xi1>
      %eq3A_158 = arith.constant 0 : i32
      %eq3A_159 = vector.broadcast %eq3A_158 : i32 to vector<16xi32>
      %eq3A_160 = arith.cmpi eq, %shift_right_logical3A_149, %eq3A_159 : vector<16xi32>
      %and3A_161 = arith.andi %and3A_157, %eq3A_160 : vector<16xi1>
      %shift_right_logical3A_162 = arith.constant 12 : i32
      %shift_right_logical3A_163 = vector.broadcast %shift_right_logical3A_162 : i32 to vector<16xi32>
      %shift_right_logical3A_164 = arith.shrui %get3A_141, %shift_right_logical3A_163 : vector<16xi32>
      %and3A_165 = arith.constant 7 : i32
      %and3A_166 = vector.broadcast %and3A_165 : i32 to vector<16xi32>
      %and3A_167 = arith.andi %shift_right_logical3A_164, %and3A_166 : vector<16xi32>
      %and3A_168 = arith.constant 2047 : i32
      %and3A_169 = vector.broadcast %and3A_168 : i32 to vector<16xi32>
      %and3A_170 = arith.andi %and3A_146, %and3A_169 : vector<16xi32>
      %gather3A = tpu.vector_load_idx %arg6[%and3A_167, %and3A_170] masked %and3A_161 : memref<8x2048xf32, #tpu.memory_space<vmem>>[vector<16xi32>, vector<16xi32>], vector<16xf32>, vector<16xi1>
      %mul3A_171 = arith.mulf %gather3A, %div3A_20 : vector<16xf32>
      %max3A_172 = arith.constant -1.270000e+02 : f32
      %max3A_173 = vector.broadcast %max3A_172 : f32 to vector<16xf32>
      %max3A_174 = arith.maximumf %mul3A_171, %max3A_173 : vector<16xf32>
      %min3A = arith.constant 1.270000e+02 : f32
      %min3A_175 = vector.broadcast %min3A : f32 to vector<16xf32>
      %min3A_176 = arith.minimumf %max3A_174, %min3A_175 : vector<16xf32>
      %convert_element_type3A = arith.fptosi %min3A_176 : vector<16xf32> to vector<16xi32>
      %xor3A = arith.constant 128 : i32
      %xor3A_177 = vector.broadcast %xor3A : i32 to vector<16xi32>
      %xor3A_178 = arith.xori %convert_element_type3A, %xor3A_177 : vector<16xi32>
      %convert_element_type3A_179 = arith.sitofp %xor3A_178 : vector<16xi32> to vector<16xf32>
      %mul3A_180 = arith.mulf %convert_element_type3A_179, %max3A_18 : vector<16xf32>
      tpu.vector_store_idx %arg9[%and3A_167, %and3A_170], %mul3A_180 masked %and3A_161 : memref<8x2048xf32, #tpu.memory_space<vmem>>[vector<16xi32>, vector<16xi32>], vector<16xf32>, vector<16xi1>
      %while3A_181 = arith.constant 0 : i32
      scf.yield %while3A_181 : i32
    }
    %while3A_77 = arith.constant 1 : i32
    %while3A_78 = scf.for %while3A_136 = %while3A_74 to %while3A_70 step %while3A_77 iter_args(%while3A_137 = %while3A_76) -> (i32)  : i32 {
      %mul3A_138 = arith.constant 16 : i32
      %mul3A_139 = arith.muli %while3A_136, %mul3A_138 : i32
      %get3A_140 = arith.index_cast %mul3A_139 : i32 to index
      %get3A_141 = tpu.vector_load %arg13[%get3A_140] {strides = array<i32>} : memref<1694xi32, #tpu.memory_space<vmem>>, vector<16xi32>,
      %shift_right_logical3A = arith.constant 15 : i32
      %shift_right_logical3A_142 = vector.broadcast %shift_right_logical3A : i32 to vector<16xi32>
      %shift_right_logical3A_143 = arith.shrui %get3A_141, %shift_right_logical3A_142 : vector<16xi32>
      %and3A_144 = arith.constant 4095 : i32
      %and3A_145 = vector.broadcast %and3A_144 : i32 to vector<16xi32>
      %and3A_146 = arith.andi %get3A_141, %and3A_145 : vector<16xi32>
      %shift_right_logical3A_147 = arith.constant 11 : i32
      %shift_right_logical3A_148 = vector.broadcast %shift_right_logical3A_147 : i32 to vector<16xi32>
      %shift_right_logical3A_149 = arith.shrui %and3A_146, %shift_right_logical3A_148 : vector<16xi32>
      %mul3A_150 = arith.constant 16 : i32
      %mul3A_151 = arith.muli %while3A_136, %mul3A_150 : i32
      %add3A_152 = vector.broadcast %mul3A_151 : i32 to vector<16xi32>
      %add3A_153 = arith.addi %add3A_152, %iota3A : vector<16xi32>
      %lt3A = vector.broadcast %scan3A_25 : i32 to vector<16xi32>
      %lt3A_154 = arith.cmpi slt, %add3A_153, %lt3A : vector<16xi32>
      %eq3A = arith.constant 15 : i32
      %eq3A_155 = vector.broadcast %eq3A : i32 to vector<16xi32>
      %eq3A_156 = arith.cmpi eq, %shift_right_logical3A_143, %eq3A_155 : vector<16xi32>
      %and3A_157 = arith.andi %lt3A_154, %eq3A_156 : vector<16xi1>
      %eq3A_158 = arith.constant 0 : i32
      %eq3A_159 = vector.broadcast %eq3A_158 : i32 to vector<16xi32>
      %eq3A_160 = arith.cmpi eq, %shift_right_logical3A_149, %eq3A_159 : vector<16xi32>
      %and3A_161 = arith.andi %and3A_157, %eq3A_160 : vector<16xi1>
      %shift_right_logical3A_162 = arith.constant 12 : i32
      %shift_right_logical3A_163 = vector.broadcast %shift_right_logical3A_162 : i32 to vector<16xi32>
      %shift_right_logical3A_164 = arith.shrui %get3A_141, %shift_right_logical3A_163 : vector<16xi32>
      %and3A_165 = arith.constant 7 : i32
      %and3A_166 = vector.broadcast %and3A_165 : i32 to vector<16xi32>
      %and3A_167 = arith.andi %shift_right_logical3A_164, %and3A_166 : vector<16xi32>
      %and3A_168 = arith.constant 2047 : i32
      %and3A_169 = vector.broadcast %and3A_168 : i32 to vector<16xi32>
      %and3A_170 = arith.andi %and3A_146, %and3A_169 : vector<16xi32>
      %gather3A = tpu.vector_load_idx %arg6[%and3A_167, %and3A_170] masked %and3A_161 : memref<8x2048xf32, #tpu.memory_space<vmem>>[vector<16xi32>, vector<16xi32>], vector<16xf32>, vector<16xi1>
      %mul3A_171 = arith.mulf %gather3A, %div3A_20 : vector<16xf32>
      %max3A_172 = arith.constant -1.270000e+02 : f32
      %max3A_173 = vector.broadcast %max3A_172 : f32 to vector<16xf32>
      %max3A_174 = arith.maximumf %mul3A_171, %max3A_173 : vector<16xf32>
      %min3A = arith.constant 1.270000e+02 : f32
      %min3A_175 = vector.broadcast %min3A : f32 to vector<16xf32>
      %min3A_176 = arith.minimumf %max3A_174, %min3A_175 : vector<16xf32>
      %convert_element_type3A = arith.fptosi %min3A_176 : vector<16xf32> to vector<16xi32>
      %xor3A = arith.constant 128 : i32
      %xor3A_177 = vector.broadcast %xor3A : i32 to vector<16xi32>
      %xor3A_178 = arith.xori %convert_element_type3A, %xor3A_177 : vector<16xi32>
      %convert_element_type3A_179 = arith.sitofp %xor3A_178 : vector<16xi32> to vector<16xf32>
      %mul3A_180 = arith.mulf %convert_element_type3A_179, %max3A_18 : vector<16xf32>
      tpu.vector_store_idx %arg9[%and3A_167, %and3A_170], %mul3A_180 masked %and3A_161 : memref<8x2048xf32, #tpu.memory_space<vmem>>[vector<16xi32>, vector<16xi32>], vector<16xf32>, vector<16xi1>
      %while3A_181 = arith.constant 0 : i32
      scf.yield %while3A_181 : i32
    }
    %add3A_79 = arith.constant 120 : i32
    %add3A_80 = arith.addi %mul3A_2, %add3A_79 : i32
    %dma_start3A_81 = arith.constant 0 : i32
    %dma_start3A_82 = tpu.memref_slice %arg5[%add3A_80, %dma_start3A_81] : memref<4096x4096xf32, #tpu.memory_space<hbm>> -> memref<8x2048xf32, #tpu.memory_space<hbm>>
    %dma_start3A_83 = arith.constant 0 : i32
    %dma_start3A_84 = tpu.memref_slice %arg5[%add3A_80, %dma_start3A_83] : memref<4096x4096xf32, #tpu.memory_space<hbm>> -> memref<8x2048xf32, #tpu.memory_space<hbm>>
    tpu.enqueue_dma source(%arg9 : memref<8x2048xf32, #tpu.memory_space<vmem>>) target(%dma_start3A_84 : memref<8x2048xf32, #tpu.memory_space<hbm>>) target_semaphore(%arg18 : memref<!tpu.dma_semaphore, #tpu.memory_space<semaphore_mem>>)
    %add3A_85 = arith.constant 120 : i32
    %add3A_86 = arith.addi %mul3A_2, %add3A_85 : i32
    %dma_wait3A_87 = arith.constant 2048 : i32
    %dma_wait3A_88 = tpu.memref_slice %arg2[%add3A_86, %dma_wait3A_87] : memref<4096x4096xf32, #tpu.memory_space<hbm>> -> memref<8x2048xf32, #tpu.memory_space<hbm>>
    %dma_wait3A_89 = arith.constant 2048 : i32
    %dma_wait3A_90 = tpu.memref_slice %arg2[%add3A_86, %dma_wait3A_89] : memref<4096x4096xf32, #tpu.memory_space<hbm>> -> memref<8x2048xf32, #tpu.memory_space<hbm>>
    tpu.wait_dma2 semaphore(%arg16 : memref<!tpu.dma_semaphore, #tpu.memory_space<semaphore_mem>>) src(%dma_wait3A_90 : memref<8x2048xf32, #tpu.memory_space<hbm>>) dst(%arg7 : memref<8x2048xf32, #tpu.memory_space<vmem>>)
    %add3A_91 = arith.constant 120 : i32
    %add3A_92 = arith.addi %mul3A_2, %add3A_91 : i32
    %dma_wait3A_93 = arith.constant 2048 : i32
    %dma_wait3A_94 = tpu.memref_slice %arg5[%add3A_92, %dma_wait3A_93] : memref<4096x4096xf32, #tpu.memory_space<hbm>> -> memref<8x2048xf32, #tpu.memory_space<hbm>>
    %dma_wait3A_95 = arith.constant 2048 : i32
    %dma_wait3A_96 = tpu.memref_slice %arg5[%add3A_92, %dma_wait3A_95] : memref<4096x4096xf32, #tpu.memory_space<hbm>> -> memref<8x2048xf32, #tpu.memory_space<hbm>>
    tpu.wait_dma2 semaphore(%arg19 : memref<!tpu.dma_semaphore, #tpu.memory_space<semaphore_mem>>) src(%arg10 : memref<8x2048xf32, #tpu.memory_space<vmem>>) dst(%dma_wait3A_96 : memref<8x2048xf32, #tpu.memory_space<hbm>>)
    %parallel_loop3A_97 = arith.constant 0 : i32
    %parallel_loop3A_98 = arith.constant 8 : i32
    %parallel_loop3A_99 = arith.constant 1 : i32
    scf.for %parallel_loop3A_136 = %parallel_loop3A_97 to %parallel_loop3A_98 step %parallel_loop3A_99  : i32 {
      %parallel_loop3A_137 = arith.constant 0 : i32
      %parallel_loop3A_138 = arith.constant 2048 : i32
      %parallel_loop3A_139 = arith.constant 16 : i32
      scf.for %parallel_loop3A_140 = %parallel_loop3A_137 to %parallel_loop3A_138 step %parallel_loop3A_139  : i32 {
        %parallel_loop3A_141 = arith.index_cast %parallel_loop3A_136 : i32 to index
        %parallel_loop3A_142 = arith.index_cast %parallel_loop3A_140 : i32 to index
        %parallel_loop3A_143 = tpu.vector_load %arg7[%parallel_loop3A_141, %parallel_loop3A_142] {strides = array<i32>} : memref<8x2048xf32, #tpu.memory_space<vmem>>, vector<16xf32>,
        %parallel_loop3A_144 = arith.mulf %parallel_loop3A_143, %div3A_20 : vector<16xf32>
        %parallel_loop3A_145 = arith.constant -1.270000e+02 : f32
        %parallel_loop3A_146 = vector.broadcast %parallel_loop3A_145 : f32 to vector<16xf32>
        %parallel_loop3A_147 = arith.maximumf %parallel_loop3A_144, %parallel_loop3A_146 : vector<16xf32>
        %parallel_loop3A_148 = arith.constant 1.270000e+02 : f32
        %parallel_loop3A_149 = vector.broadcast %parallel_loop3A_148 : f32 to vector<16xf32>
        %parallel_loop3A_150 = arith.minimumf %parallel_loop3A_147, %parallel_loop3A_149 : vector<16xf32>
        %parallel_loop3A_151 = arith.constant 0x4B400000 : f32
        %parallel_loop3A_152 = vector.broadcast %parallel_loop3A_151 : f32 to vector<16xf32>
        %parallel_loop3A_153 = arith.addf %parallel_loop3A_150, %parallel_loop3A_152 : vector<16xf32>
        %parallel_loop3A_154 = arith.constant 0x4B400000 : f32
        %parallel_loop3A_155 = vector.broadcast %parallel_loop3A_154 : f32 to vector<16xf32>
        %parallel_loop3A_156 = arith.subf %parallel_loop3A_153, %parallel_loop3A_155 : vector<16xf32>
        %parallel_loop3A_157 = arith.mulf %parallel_loop3A_156, %max3A_18 : vector<16xf32>
        %parallel_loop3A_158 = arith.index_cast %parallel_loop3A_136 : i32 to index
        %parallel_loop3A_159 = arith.index_cast %parallel_loop3A_140 : i32 to index
        %parallel_loop3A_160 = tpu.vector_load %arg10[%parallel_loop3A_158, %parallel_loop3A_159] {strides = array<i32>} : memref<8x2048xf32, #tpu.memory_space<vmem>>, vector<16xf32>,
        tpu.vector_store %arg10[%parallel_loop3A_158, %parallel_loop3A_159], %parallel_loop3A_157 {strides = array<i32>} : memref<8x2048xf32, #tpu.memory_space<vmem>>, vector<16xf32>,
      } {sc.loop_unroll_factor = 8 : i64, sc.parallel_access}
    } {sc.loop_unroll_factor = 1 : i64, sc.parallel_access}
    %while3A_100 = arith.constant 0 : i32
    %while3A_101 = arith.constant 0 : i32
    %while3A_102 = arith.subi %select_n3A, %while3A_100 : i32
    %while3A_103 = arith.addi %while3A_100, %while3A_102 : i32
    %while3A_104 = arith.constant 1 : i32
    %while3A_105 = arith.divsi %while3A_102, %while3A_104 : i32
    %while3A_106 = arith.muli %while3A_105, %while3A_104 : i32
    %while3A_107 = arith.addi %while3A_100, %while3A_106 : i32
    %while3A_108 = arith.constant 1 : i32
    %while3A_109 = scf.for %while3A_136 = %while3A_100 to %while3A_107 step %while3A_108 iter_args(%while3A_137 = %while3A_101) -> (i32)  : i32 {
      %mul3A_138 = arith.constant 16 : i32
      %mul3A_139 = arith.muli %while3A_136, %mul3A_138 : i32
      %get3A_140 = arith.index_cast %mul3A_139 : i32 to index
      %get3A_141 = tpu.vector_load %arg13[%get3A_140] {strides = array<i32>} : memref<1694xi32, #tpu.memory_space<vmem>>, vector<16xi32>,
      %shift_right_logical3A = arith.constant 15 : i32
      %shift_right_logical3A_142 = vector.broadcast %shift_right_logical3A : i32 to vector<16xi32>
      %shift_right_logical3A_143 = arith.shrui %get3A_141, %shift_right_logical3A_142 : vector<16xi32>
      %and3A_144 = arith.constant 4095 : i32
      %and3A_145 = vector.broadcast %and3A_144 : i32 to vector<16xi32>
      %and3A_146 = arith.andi %get3A_141, %and3A_145 : vector<16xi32>
      %shift_right_logical3A_147 = arith.constant 11 : i32
      %shift_right_logical3A_148 = vector.broadcast %shift_right_logical3A_147 : i32 to vector<16xi32>
      %shift_right_logical3A_149 = arith.shrui %and3A_146, %shift_right_logical3A_148 : vector<16xi32>
      %mul3A_150 = arith.constant 16 : i32
      %mul3A_151 = arith.muli %while3A_136, %mul3A_150 : i32
      %add3A_152 = vector.broadcast %mul3A_151 : i32 to vector<16xi32>
      %add3A_153 = arith.addi %add3A_152, %iota3A : vector<16xi32>
      %lt3A = vector.broadcast %scan3A_25 : i32 to vector<16xi32>
      %lt3A_154 = arith.cmpi slt, %add3A_153, %lt3A : vector<16xi32>
      %eq3A = arith.constant 15 : i32
      %eq3A_155 = vector.broadcast %eq3A : i32 to vector<16xi32>
      %eq3A_156 = arith.cmpi eq, %shift_right_logical3A_143, %eq3A_155 : vector<16xi32>
      %and3A_157 = arith.andi %lt3A_154, %eq3A_156 : vector<16xi1>
      %eq3A_158 = arith.constant 1 : i32
      %eq3A_159 = vector.broadcast %eq3A_158 : i32 to vector<16xi32>
      %eq3A_160 = arith.cmpi eq, %shift_right_logical3A_149, %eq3A_159 : vector<16xi32>
      %and3A_161 = arith.andi %and3A_157, %eq3A_160 : vector<16xi1>
      %shift_right_logical3A_162 = arith.constant 12 : i32
      %shift_right_logical3A_163 = vector.broadcast %shift_right_logical3A_162 : i32 to vector<16xi32>
      %shift_right_logical3A_164 = arith.shrui %get3A_141, %shift_right_logical3A_163 : vector<16xi32>
      %and3A_165 = arith.constant 7 : i32
      %and3A_166 = vector.broadcast %and3A_165 : i32 to vector<16xi32>
      %and3A_167 = arith.andi %shift_right_logical3A_164, %and3A_166 : vector<16xi32>
      %and3A_168 = arith.constant 2047 : i32
      %and3A_169 = vector.broadcast %and3A_168 : i32 to vector<16xi32>
      %and3A_170 = arith.andi %and3A_146, %and3A_169 : vector<16xi32>
      %gather3A = tpu.vector_load_idx %arg7[%and3A_167, %and3A_170] masked %and3A_161 : memref<8x2048xf32, #tpu.memory_space<vmem>>[vector<16xi32>, vector<16xi32>], vector<16xf32>, vector<16xi1>
      %mul3A_171 = arith.mulf %gather3A, %div3A_20 : vector<16xf32>
      %max3A_172 = arith.constant -1.270000e+02 : f32
      %max3A_173 = vector.broadcast %max3A_172 : f32 to vector<16xf32>
      %max3A_174 = arith.maximumf %mul3A_171, %max3A_173 : vector<16xf32>
      %min3A = arith.constant 1.270000e+02 : f32
      %min3A_175 = vector.broadcast %min3A : f32 to vector<16xf32>
      %min3A_176 = arith.minimumf %max3A_174, %min3A_175 : vector<16xf32>
      %convert_element_type3A = arith.fptosi %min3A_176 : vector<16xf32> to vector<16xi32>
      %xor3A = arith.constant 128 : i32
      %xor3A_177 = vector.broadcast %xor3A : i32 to vector<16xi32>
      %xor3A_178 = arith.xori %convert_element_type3A, %xor3A_177 : vector<16xi32>
      %convert_element_type3A_179 = arith.sitofp %xor3A_178 : vector<16xi32> to vector<16xf32>
      %mul3A_180 = arith.mulf %convert_element_type3A_179, %max3A_18 : vector<16xf32>
      tpu.vector_store_idx %arg10[%and3A_167, %and3A_170], %mul3A_180 masked %and3A_161 : memref<8x2048xf32, #tpu.memory_space<vmem>>[vector<16xi32>, vector<16xi32>], vector<16xf32>, vector<16xi1>
      %while3A_181 = arith.constant 0 : i32
      scf.yield %while3A_181 : i32
    }
    %while3A_110 = arith.constant 1 : i32
    %while3A_111 = scf.for %while3A_136 = %while3A_107 to %while3A_103 step %while3A_110 iter_args(%while3A_137 = %while3A_109) -> (i32)  : i32 {
      %mul3A_138 = arith.constant 16 : i32
      %mul3A_139 = arith.muli %while3A_136, %mul3A_138 : i32
      %get3A_140 = arith.index_cast %mul3A_139 : i32 to index
      %get3A_141 = tpu.vector_load %arg13[%get3A_140] {strides = array<i32>} : memref<1694xi32, #tpu.memory_space<vmem>>, vector<16xi32>,
      %shift_right_logical3A = arith.constant 15 : i32
      %shift_right_logical3A_142 = vector.broadcast %shift_right_logical3A : i32 to vector<16xi32>
      %shift_right_logical3A_143 = arith.shrui %get3A_141, %shift_right_logical3A_142 : vector<16xi32>
      %and3A_144 = arith.constant 4095 : i32
      %and3A_145 = vector.broadcast %and3A_144 : i32 to vector<16xi32>
      %and3A_146 = arith.andi %get3A_141, %and3A_145 : vector<16xi32>
      %shift_right_logical3A_147 = arith.constant 11 : i32
      %shift_right_logical3A_148 = vector.broadcast %shift_right_logical3A_147 : i32 to vector<16xi32>
      %shift_right_logical3A_149 = arith.shrui %and3A_146, %shift_right_logical3A_148 : vector<16xi32>
      %mul3A_150 = arith.constant 16 : i32
      %mul3A_151 = arith.muli %while3A_136, %mul3A_150 : i32
      %add3A_152 = vector.broadcast %mul3A_151 : i32 to vector<16xi32>
      %add3A_153 = arith.addi %add3A_152, %iota3A : vector<16xi32>
      %lt3A = vector.broadcast %scan3A_25 : i32 to vector<16xi32>
      %lt3A_154 = arith.cmpi slt, %add3A_153, %lt3A : vector<16xi32>
      %eq3A = arith.constant 15 : i32
      %eq3A_155 = vector.broadcast %eq3A : i32 to vector<16xi32>
      %eq3A_156 = arith.cmpi eq, %shift_right_logical3A_143, %eq3A_155 : vector<16xi32>
      %and3A_157 = arith.andi %lt3A_154, %eq3A_156 : vector<16xi1>
      %eq3A_158 = arith.constant 1 : i32
      %eq3A_159 = vector.broadcast %eq3A_158 : i32 to vector<16xi32>
      %eq3A_160 = arith.cmpi eq, %shift_right_logical3A_149, %eq3A_159 : vector<16xi32>
      %and3A_161 = arith.andi %and3A_157, %eq3A_160 : vector<16xi1>
      %shift_right_logical3A_162 = arith.constant 12 : i32
      %shift_right_logical3A_163 = vector.broadcast %shift_right_logical3A_162 : i32 to vector<16xi32>
      %shift_right_logical3A_164 = arith.shrui %get3A_141, %shift_right_logical3A_163 : vector<16xi32>
      %and3A_165 = arith.constant 7 : i32
      %and3A_166 = vector.broadcast %and3A_165 : i32 to vector<16xi32>
      %and3A_167 = arith.andi %shift_right_logical3A_164, %and3A_166 : vector<16xi32>
      %and3A_168 = arith.constant 2047 : i32
      %and3A_169 = vector.broadcast %and3A_168 : i32 to vector<16xi32>
      %and3A_170 = arith.andi %and3A_146, %and3A_169 : vector<16xi32>
      %gather3A = tpu.vector_load_idx %arg7[%and3A_167, %and3A_170] masked %and3A_161 : memref<8x2048xf32, #tpu.memory_space<vmem>>[vector<16xi32>, vector<16xi32>], vector<16xf32>, vector<16xi1>
      %mul3A_171 = arith.mulf %gather3A, %div3A_20 : vector<16xf32>
      %max3A_172 = arith.constant -1.270000e+02 : f32
      %max3A_173 = vector.broadcast %max3A_172 : f32 to vector<16xf32>
      %max3A_174 = arith.maximumf %mul3A_171, %max3A_173 : vector<16xf32>
      %min3A = arith.constant 1.270000e+02 : f32
      %min3A_175 = vector.broadcast %min3A : f32 to vector<16xf32>
      %min3A_176 = arith.minimumf %max3A_174, %min3A_175 : vector<16xf32>
      %convert_element_type3A = arith.fptosi %min3A_176 : vector<16xf32> to vector<16xi32>
      %xor3A = arith.constant 128 : i32
      %xor3A_177 = vector.broadcast %xor3A : i32 to vector<16xi32>
      %xor3A_178 = arith.xori %convert_element_type3A, %xor3A_177 : vector<16xi32>
      %convert_element_type3A_179 = arith.sitofp %xor3A_178 : vector<16xi32> to vector<16xf32>
      %mul3A_180 = arith.mulf %convert_element_type3A_179, %max3A_18 : vector<16xf32>
      tpu.vector_store_idx %arg10[%and3A_167, %and3A_170], %mul3A_180 masked %and3A_161 : memref<8x2048xf32, #tpu.memory_space<vmem>>[vector<16xi32>, vector<16xi32>], vector<16xf32>, vector<16xi1>
      %while3A_181 = arith.constant 0 : i32
      scf.yield %while3A_181 : i32
    }
    %add3A_112 = arith.constant 120 : i32
    %add3A_113 = arith.addi %mul3A_2, %add3A_112 : i32
    %dma_start3A_114 = arith.constant 2048 : i32
    %dma_start3A_115 = tpu.memref_slice %arg5[%add3A_113, %dma_start3A_114] : memref<4096x4096xf32, #tpu.memory_space<hbm>> -> memref<8x2048xf32, #tpu.memory_space<hbm>>
    %dma_start3A_116 = arith.constant 2048 : i32
    %dma_start3A_117 = tpu.memref_slice %arg5[%add3A_113, %dma_start3A_116] : memref<4096x4096xf32, #tpu.memory_space<hbm>> -> memref<8x2048xf32, #tpu.memory_space<hbm>>
    tpu.enqueue_dma source(%arg10 : memref<8x2048xf32, #tpu.memory_space<vmem>>) target(%dma_start3A_117 : memref<8x2048xf32, #tpu.memory_space<hbm>>) target_semaphore(%arg19 : memref<!tpu.dma_semaphore, #tpu.memory_space<semaphore_mem>>)
    %add3A_118 = arith.constant 112 : i32
    %add3A_119 = arith.addi %mul3A_2, %add3A_118 : i32
    %dma_wait3A_120 = arith.constant 2048 : i32
    %dma_wait3A_121 = tpu.memref_slice %arg5[%add3A_119, %dma_wait3A_120] : memref<4096x4096xf32, #tpu.memory_space<hbm>> -> memref<8x2048xf32, #tpu.memory_space<hbm>>
    %dma_wait3A_122 = arith.constant 2048 : i32
    %dma_wait3A_123 = tpu.memref_slice %arg5[%add3A_119, %dma_wait3A_122] : memref<4096x4096xf32, #tpu.memory_space<hbm>> -> memref<8x2048xf32, #tpu.memory_space<hbm>>
    tpu.wait_dma2 semaphore(%arg20 : memref<!tpu.dma_semaphore, #tpu.memory_space<semaphore_mem>>) src(%arg11 : memref<8x2048xf32, #tpu.memory_space<vmem>>) dst(%dma_wait3A_123 : memref<8x2048xf32, #tpu.memory_space<hbm>>)
    %add3A_124 = arith.constant 120 : i32
    %add3A_125 = arith.addi %mul3A_2, %add3A_124 : i32
    %dma_wait3A_126 = arith.constant 0 : i32
    %dma_wait3A_127 = tpu.memref_slice %arg5[%add3A_125, %dma_wait3A_126] : memref<4096x4096xf32, #tpu.memory_space<hbm>> -> memref<8x2048xf32, #tpu.memory_space<hbm>>
    %dma_wait3A_128 = arith.constant 0 : i32
    %dma_wait3A_129 = tpu.memref_slice %arg5[%add3A_125, %dma_wait3A_128] : memref<4096x4096xf32, #tpu.memory_space<hbm>> -> memref<8x2048xf32, #tpu.memory_space<hbm>>
    tpu.wait_dma2 semaphore(%arg18 : memref<!tpu.dma_semaphore, #tpu.memory_space<semaphore_mem>>) src(%arg9 : memref<8x2048xf32, #tpu.memory_space<vmem>>) dst(%dma_wait3A_129 : memref<8x2048xf32, #tpu.memory_space<hbm>>)
    %add3A_130 = arith.constant 120 : i32
    %add3A_131 = arith.addi %mul3A_2, %add3A_130 : i32
    %dma_wait3A_132 = arith.constant 2048 : i32
    %dma_wait3A_133 = tpu.memref_slice %arg5[%add3A_131, %dma_wait3A_132] : memref<4096x4096xf32, #tpu.memory_space<hbm>> -> memref<8x2048xf32, #tpu.memory_space<hbm>>
    %dma_wait3A_134 = arith.constant 2048 : i32
    %dma_wait3A_135 = tpu.memref_slice %arg5[%add3A_131, %dma_wait3A_134] : memref<4096x4096xf32, #tpu.memory_space<hbm>> -> memref<8x2048xf32, #tpu.memory_space<hbm>>
    tpu.wait_dma2 semaphore(%arg19 : memref<!tpu.dma_semaphore, #tpu.memory_space<semaphore_mem>>) src(%arg10 : memref<8x2048xf32, #tpu.memory_space<vmem>>) dst(%dma_wait3A_135 : memref<8x2048xf32, #tpu.memory_space<hbm>>)
    return
  }
}

</mosaic_0001>

<sc_bundles>
// kernel: kernel.3.cloned.1.call-start
scs
__scs_entry_jumppad:
0x0: {  	(pc) =	sbr.rel $0x88, $3  }
0x1: {  	(tag) =	ssettag $0x0;
	lr =	simm.s32 $0x1  }
0x2: {  	[smem:$0x3F9E] =	sst lr;
	_ =	strace $0xD0000000  }
0x3: {  	_ = 	snop  }
0x4: {  	_ = 	snop  }
0x5: {  	_ = 	snop  }
0x6: {  	_ = 	snop  }
0x7: {  	_ = 	snop  }
__scs_overlays_trampoline_lowered:
0x8: {  	[smem:$0x3FAD] =	sst s0  }
0x9: {  	[smem:$0x3FAE] =	sst s1  }
0xa: {  	[smem:$0x3FAF] =	sst s2  }
0xb: {  	[smem:$0x3FB0] =	sst s3  }
0xc: {  	[smem:$0x3FB1] =	sst s4  }
0xd: {  	[smem:$0x3FB2] =	sst s5  }
0xe: {  	[smem:$0x3FB3] =	sst s6  }
0xf: {  	[smem:$0x3FB4] =	sst s7  }
0x10: {  	[smem:$0x3FB5] =	sst s8  }
0x11: {  	[smem:$0x3FB6] =	sst s9;
	s0 =	simm.s32 @!p0 $0x0  }
0x12: {  	s1 =	sld [smem:$0x3F9C];
	s0 =	simm.s32 @p0 $0x1  }
0x13: {  	[smem:$0x3FB7] =	sst s0;
	s0 =	simm.s32 @!p1 $0x0  }
0x14: {  	s2 =	sld [smem:$0x3F9B];
	s0 =	simm.s32 @p1 $0x1  }
0x15: {  	[smem:$0x3FB8] =	sst s0;
	s0 =	simm.s32 @!p2 $0x0  }
0x16: {  	s3 =	sld [smem:$0x3FDB];
	s0 =	simm.s32 @p2 $0x1  }
0x17: {  	s4 =	simm.s32 $0x1BF5;
	[smem:$0x3FBA] =	sst s0  }
0x18: {  	s0 =	sld [smem:$0x3F9D];
	_ =	swait.ge [sflag:s4], $0x0  }
0x19: {  	s7 =	sld [smem:$0x3F9E]  }
0x1a: {  	s8 =	sadd.s32 $0xFFFFE003, lr  }
0x1b: {  	s9 =	sadd.s32 $0xFFFFFEF7, lr;
	s5 =	simm.s32 $0xFFFFFFFF;
	p2 =	slt.u32 s8, $0xFFFFF086  }
0x1c: {  	p1 =	slt.u32 s9, $0xF7A;
	s5 =	simm.s32 @!p2 $0x0  }
0x1d: {  	s5 =	simm.s32 @p1 $0x1;
	p0 =	seq.s32 s7, s2  }
0x1e: {  	s7 =	smul.u32 @!p0 $0xF7A, s2;
	p2 =	seq.s32 @!p0 s5, $0x0  }
0x1f: {  	s9 =	smul.u32 $0xF7A, s1;
	s8 =	simm.s32 @!p0 $0x1BF5;
	p2 =	por !p2, p0  }
0x20: {  	[sflag:s8] =	ssyncset.s32 @!p0 $0xFFFFF086;
	s6 =	sadd.s32 @!p0 s3, s7;
	s7 =	simm.s32 @!p0 $0x108  }
0x21: {  	s3 =	sadd.s32 s3, s9;
	s6 =	sadd.s32 @!p0 $0x88, s6;
	s7 =	simm.s32 @p2 $0x1082  }
0x22: {  	[simem:s7], [sflag:s8] =	dma.local @!p0 [hbm:s6], $0xF7A  }
0x23: {  	s9 =	sor.u32 $0xD0000000, s2;
	s6 =	simm.s32 $0x108;
	_ =	swait.ge @!p0 [sflag:s8], $0x0  }
0x24: {  	s3 =	sadd.s32 $0x88, s3;
	s6 =	simm.s32 @!p1 $0x1082;
	[sflag:s4] =	ssyncset.s32 $0xFFFFF086  }
0x25: {  	[simem:s6], [sflag:s4] =	dma.local [hbm:s3], $0xF7A  }
0x26: {  	[smem:$0x3F9E] =	sst s1;
	(tag) =	ssettag s2;
	_ =	strace s9  }
0x27: {  	s1 =	sld [smem:$0x3FAE]  }
0x28: {  	s2 =	sld [smem:$0x3FAF]  }
0x29: {  	s4 =	sld [smem:$0x3FB1]  }
0x2a: {  	p0 =	seq.s32 s5, $0x0;
	s5 =	sld [smem:$0x3FB2]  }
0x2b: {  	s6 =	sld [smem:$0x3FB3]  }
0x2c: {  	s7 =	sld [smem:$0x3FB4]  }
0x2d: {  	s3 =	simm.s32 $0x108;
	s8 =	sld [smem:$0x3FB5]  }
0x2e: {  	s3 =	simm.s32 @!p0 $0x1082;
	s9 =	sld [smem:$0x3FB6]  }
0x2f: {  	lr =	sadd.s32 s0, s3;
	s0 =	sld [smem:$0x3FAD]  }
0x30: {  	s3 =	sld [smem:$0x3FB0]  }
0x31: {  	[smem:$0x3FB9] =	sst s10  }
0x32: {  	s10 =	sld [smem:$0x3FB7];
	_ =	sdelay $0x3  }
0x33: {  	p0 =	seq.s32 s10, $0x1;
	s10 =	sld [smem:$0x3FB9];
	_ =	sdelay $0x3  }
0x34: {  	[smem:$0x3FB9] =	sst s10  }
0x35: {  	s10 =	sld [smem:$0x3FB8];
	_ =	sdelay $0x3  }
0x36: {  	p1 =	seq.s32 s10, $0x1;
	s10 =	sld [smem:$0x3FB9];
	_ =	sdelay $0x3  }
0x37: {  	[smem:$0x3FB9] =	sst s10  }
0x38: {  	s10 =	sld [smem:$0x3FBA]  }
0x39: {  	_ = 	snop;
	(pc) =	sbr.ind lr, $3  }
0x3a: {  	_ = 	snop  }
0x3b: {  	_ = 	snop  }
0x3c: {  	p2 =	seq.s32 s10, $0x1;
	s10 =	sld [smem:$0x3FB9]  }
0x3d: {  	_ =	shalt  }
0x3e: {  	_ =	shalt  }
0x3f: {  	_ =	shalt  }
0x40: {  	_ =	shalt  }
0x41: {  	_ =	shalt  }
0x42: {  	_ =	shalt  }
0x43: {  	_ =	shalt  }
0x44: {  	_ =	shalt  }
0x45: {  	_ =	shalt  }
0x46: {  	_ =	shalt  }
0x47: {  	_ =	shalt  }
0x48: {  	_ =	shalt  }
0x49: {  	_ =	shalt  }
0x4a: {  	_ =	shalt  }
0x4b: {  	_ =	shalt  }
0x4c: {  	_ =	shalt  }
0x4d: {  	_ =	shalt  }
0x4e: {  	_ =	shalt  }
0x4f: {  	_ =	shalt  }
0x50: {  	_ =	shalt  }
0x51: {  	_ =	shalt  }
0x52: {  	_ =	shalt  }
0x53: {  	_ =	shalt  }
0x54: {  	_ =	shalt  }
0x55: {  	_ =	shalt  }
0x56: {  	_ =	shalt  }
0x57: {  	_ =	shalt  }
0x58: {  	_ =	shalt  }
0x59: {  	_ =	shalt  }
0x5a: {  	_ =	shalt  }
0x5b: {  	_ =	shalt  }
0x5c: {  	_ =	shalt  }
0x5d: {  	_ =	shalt  }
0x5e: {  	_ =	shalt  }
0x5f: {  	_ =	shalt  }
0x60: {  	_ =	shalt  }
0x61: {  	_ =	shalt  }
0x62: {  	_ =	shalt  }
0x63: {  	_ =	shalt  }
0x64: {  	_ =	shalt  }
0x65: {  	_ =	shalt  }
0x66: {  	_ =	shalt  }
0x67: {  	_ =	shalt  }
0x68: {  	_ =	shalt  }
0x69: {  	_ =	shalt  }
0x6a: {  	_ =	shalt  }
0x6b: {  	_ =	shalt  }
0x6c: {  	_ =	shalt  }
0x6d: {  	_ =	shalt  }
0x6e: {  	_ =	shalt  }
0x6f: {  	_ =	shalt  }
0x70: {  	_ =	shalt  }
0x71: {  	_ =	shalt  }
0x72: {  	_ =	shalt  }
0x73: {  	_ =	shalt  }
0x74: {  	_ =	shalt  }
0x75: {  	_ =	shalt  }
0x76: {  	_ =	shalt  }
0x77: {  	_ =	shalt  }
0x78: {  	_ =	shalt  }
0x79: {  	_ =	shalt  }
0x7a: {  	_ =	shalt  }
0x7b: {  	_ =	shalt  }
0x7c: {  	_ =	shalt  }
0x7d: {  	_ =	shalt  }
0x7e: {  	_ =	shalt  }
0x7f: {  	_ =	shalt  }
0x80: {  	_ =	shalt  }
0x81: {  	_ =	shalt  }
0x82: {  	_ =	shalt  }
0x83: {  	_ =	shalt  }
0x84: {  	_ =	shalt  }
0x85: {  	_ =	shalt  }
0x86: {  	_ =	shalt  }
0x87: {  	_ =	shalt  }
.Lfunc_end0:
.L_simem_size_0:
called_computation_lowered:
.L_overlay_start_0:
0x88: {  	s2 =	sld [smem:$0x3FD9]  }
0x89: {  	s3 =	sld [smem:$0x3FFE];
	_ =	sdelay $0x1  }
0x8a: {  	s1 =	srdreg.scid  }
0x8b: {  	s0 =	sand.u32 $0x1, s1  }
0x8c: {  	s17 =	sshll.u32 s0, $0xA;
	s2 =	sadd.s32 s3, s2  }
0x8d: {  	s2 =	sadd.s32 s2, s17  }
0x8e: {  	[smem:$0x3FC5] =	sst s2  }
0x8f: {  	_ = 	snop  }
0x90: {  	s2 =	sld [smem:$0x3FC9]  }
0x91: {  	s18 =	sld [smem:$0x3FC7]  }
0x92: {  	s4 =	sld [smem:$0x3FD0];
	(tm) =	ssettm $0x1  }
0x93: {  	s5 =	sld [smem:$0x3FFB];
	_ =	sdelay $0x3  }
0x94: {  	_ =	strace s5  }
0x95: {  	s5 =	sld [smem:$0x3FFC];
	_ =	sdelay $0x3  }
0x96: {  	_ =	strace s5  }
0x97: {  	s5 =	sld [smem:$0x3FFD];
	_ =	sdelay $0x3  }
0x98: {  	_ =	strace s5  }
0x99: {  	_ =	strace $0x8FFFFFFF  }
0x9a: {  	s19 =	sld [smem:$0x3FDB];
	_ =	sdelay $0x1  }
0x9b: {  	s6 =	simm.s32 $_scs_section_size  }
0x9c: {  	s7 =	simm.s32 $_size__tile_overlayer_lowered;
	s8 =	simm.s32 $_tile_overlayer_lowered  }
0x9d: {  	s22 =	simm.s32 $0x1BFF;
	s21 =	sshll.u32 s8, $0x1;
	s5 =	sadd.s32 s6, s19  }
0x9e: {  	s9 =	simm.s32 $0x0;
	s20 =	sshll.u32 s7, $0x1;
	s7 =	sadd.s32 s21, s5  }
0x9f: {  	[timem:s9], [sflag:s22] =	dma.local [hbm:s7], s20  }
0xa0: {  	_ =	swait.ge [sflag:s22], s20  }
0xa1: {  	s6 =	ssub.s32 $0x0, s20;
	[sflag:s22] =	ssyncset.done $0x0  }
0xa2: {  	[sflag:s22] =	ssyncadd.s32 s6;
	_ =	sdelay $0x1  }
0xa3: {  	s23 =	simm.s32 $0x1B8B  }
0xa4: {  	_ =	swait.ge [sflag:s23], $0x1  }
0xa5: {  	[sflag:s23] =	ssyncset.done $0x0  }
0xa6: {  	s25 =	simm.s32 $0x1B8E;
	s24 =	sld [smem:$0x3FFE];
	[sflag:s23] =	ssyncadd.s32 $0xFFFFFFFF  }
0xa7: {  	s26 =	simm.s32 $execute0_lowered;
	[smem:$0x3FD2] =	sst s25  }
0xa8: {  	s7 =	sshll.u32 s26, $0x1;
	_ =	strace $0x80000046;
	[dreg:$0x1] =	wrdreg $0xFFFFFFFF  }
0xa9: {  	s28 =	simm.s32 $_size_execute0_lowered;
	s5 =	sadd.s32 s5, s7;
	[dreg:$0x0] =	wrdreg $0x0  }
0xaa: {  	s7 =	sshll.u32 s28, $0x1;
	[dreg:$0x2] =	wrdreg s5  }
0xab: {  	[dreg:$0x3] =	wrdreg s7  }
0xac: {  	[dreg:$0x4] =	wrdreg $0xC0  }
0xad: {  	_ =	task [dreg:s9], $0x5FFFF  }
0xae: {  	[dreg:$0x1] =	wrdreg $0xFFFFFFFF  }
0xaf: {  	[dreg:$0x0] =	wrdreg $0x60  }
0xb0: {  	[dreg:$0x2] =	wrdreg s2  }
0xb1: {  	[dreg:$0x3] =	wrdreg s24  }
0xb2: {  	[dreg:$0x4] =	wrdreg s18  }
0xb3: {  	[dreg:$0x5] =	wrdreg s4  }
0xb4: {  	[dreg:$0x6] =	wrdreg $0x9  }
0xb5: {  	_ =	task.clear_ibuf [dreg:s9], $0x7FFFF;
	_ =	strace $0x90000046  }
0xb6: {  	s29 =	simm.s32 $0x9;
	_ =	strace $0x80000048  }
0xb7: {  	_ =	swait.ge [sflag:s29], $0x1  }
0xb8: {  	[sflag:s29] =	ssyncadd.s32 $0xFFFFFFFF  }
0xb9: {  	_ =	strace $0x90000048  }
0xba: {  	_ =	sfence  }
0xbb: {  	s30 =	sld [smem:$0x0];
	_ =	sdelay $0x2  }
0xbc: {  	s31 =	sshll.u32 s1, $0xD;
	s1 =	sshrl.u32 s1, $0x2  }
0xbd: {  	s3 =	sand.u32 $0x4000, s31;
	s1 =	sadd.s32 s1, s30  }
0xbe: {  	s0 =	sor.u32 s3, s0;
	s1 =	sshll.u32 s1, $0x11  }
0xbf: {  	s0 =	sor.u32 s1, s0  }
0xc0: {  	s0 =	sadd.s32 $0x8F2B, s0  }
0xc1: {  	[sflag:s0] =	ssyncadd.remote.s32 $0x1  }
0xc2: {  	_ =	sfence.sel $0xFFFF  }
0xc3: {  	[dreg:$0x0] =	wrdreg $0xFFFFFFFF;
	(pc) =	sbr.abs _section_cstart, $3  }
0xc4: {  	[dreg:$0x1] =	wrdreg $0xFFFFFFFF  }
0xc5: {  	_ =	task.clear_ibuf [dreg:s9], $0x2FFFF;
	_ =	strace $0x9FFFFFFF  }
0xc6: {  	(tm) =	ssettm $0x7FFFFFFF  }
0xc7: {  	_ =	shalt  }
tec
execute0_lowered:
.L_overlay_start_1:
0x0: {  	(tag) =	ssettag $0x1  }
0x1: {  	s1 =	rddreg [dreg:$0x0]  }
0x2: {  	s0 =	rddreg [dreg:$0x1]  }
0x3: {  	s4 =	rddreg [dreg:$0x3]  }
0x4: {  	s2 =	srdreg.scid;
	s5 =	simm.s32 $0x0;
	s6 =	stileid.u32  }
0x5: {  	s16 =	simm.s32 $0x4000;
	s19 =	simm.s32 $0x1;
	s20 =	simm.s32 $0x8000  }
0x6: {  	s21 =	simm.s32 $0xC000;
	s22 =	simm.s32 $0x2;
	s23 =	simm.s32 $0x10000  }
0x7: {  	s24 =	simm.s32 $0x3;
	s30 =	simm.s32 $0x0;
	s2 =	sand.u32 $0x1, s2  }
0x8: {  	[smem:$0x7FF] =	sst s5;
	s6 =	sshll.u32 s6, $0x1;
	s3 =	ssub.s32 $0x2, s2  }
0x9: {  	s0 =	sadd.s32 $0x400, s0;
	s2 =	sor.u32 s2, s6;
	s7 =	sshrl.u32 s3, $0x1  }
0xa: {  	_ =	strace $0x80000047;
	s25 =	ssub.s32 s3, s7;
	s7 =	sshll.u32 s2, $0x10  }
0xb: {  	[dreg:$0x5] =	wrdreg s0;
	s8 =	sshll.u32 s2, $0x7;
	s26 =	sadd.s32 s1, s7  }
.Ltmp0:
0xc: {  	s0 =	smax.u32 s25, $0x1;
	[dreg:$0x6] =	wrdreg s26;
	(pc) =	sbr.rel .LBB2_1-.Ltmp0, $4  }
0xd: {  	s11 =	sadd.s32 s4, s7;
	s3 =	sadd.s32 $0x800, s26;
	[dreg:$0xa] =	wrdreg s0  }
0xe: {  	s2 =	sshll.u32 s2, $0x13;
	s29 =	sadd.s32 $0xF000, s11;
	[dreg:$0x7] =	wrdreg s3  }
0xf: {  	v2 =	vlaneseq.u32;
	v3 =	vimm.s32 $0x0;
	s28 =	sadd.s32 $0x80000, s2;
	s31 =	sadd.s32 $0xF800, s11;
	[dreg:$0x8] =	wrdreg s29  }
0x10: {  	vm0 =	vcmask $0x3F08;
	s12 =	sor.u32 $0x10, s8;
	v0 =	vmov s2;
	s25 =	simm.s32 $0x14000;
	v1 =	vmov s28;
	[dreg:$0x9] =	wrdreg s31  }
.LBB2_55:
0x11: {  	s2 =	simm.s32 $0x0  }
.LBB2_59:
0x12: {  	s2 =	sadd.s32 @p0 $0x10, s2  }
0x13: {  	v60 =	vand.u32 $0xFFFF8800, v7;
	v61 =	vand.u32 $0x7F, v7;
	s0 =	smov.u32 @p0 s2  }
0x14: {  	v9 =	vshrl.u32 v7, $0x5;
	v62 =	vshll.u32 v7, $0x3;
	v8 =	vor.u32 s0, v2  }
0x15: {  	vm2 =	veq.s32 v60, $0x78800;
	v63 =	vand.u32 $0x380, v9;
	vm1 =	vlt.s32 v8, v6  }
0x16: {  	v7 =	vor.u32 v61, v63;
	v6 =	vand.u32 $0x3C00, v62;
	vm1 =	vmand vm1, vm2  }
0x17: {  	v6 =	vor.u32 v6, v7;
	_ =	sdelay $0x4  }
0x18: {  	v7 =	vld.idx.msk [tilespmem:v6+s16+$0x0], vm1;
	_ =	sdelay $0x4  }
0x19: {  	v5 =	vmul.f32 v7, v5;
	_ =	sdelay $0x1  }
0x1a: {  	v5 =	vmax.f32 v5, $-1.270000000e+02  }
0x1b: {  	v5 =	vmin.f32 v5, $1.270000000e+02  }
0x1c: {  	v5 =	vtrunc.f32 v5  }
0x1d: {  	v5 =	vcvt.f32.s32 v5;
	_ =	sdelay $0x1  }
0x1e: {  	v5 =	vxor.u32 $0x80, v5  }
0x1f: {  	v5 =	vcvt.s32.f32 v5;
	_ =	sdelay $0x1  }
0x20: {  	v4 =	vmul.f32 v5, v4;
	_ =	sdelay $0x1  }
0x21: {  	[tilespmem:v6+s23+$0x0] =	vst.idx.msk vm1, v4  }
.LBB2_60:
0x22: {  	s0 =	rddreg [dreg:$0x9];
	s28 =	simm.s32 $0x6  }
0x23: {  	[hbm4b:s0+s5] =	stream.linear.scatter [tilespmem:s23], [sflag:$0x5], $0x4000, $0x38;
	[tilespmem:$0x18E80] =	vst v63  }
0x24: {  	_ =	swait.ge [sflag:s28], $0x4000  }
0x25: {  	[sflag:s28] =	ssyncset.done $0x0  }
0x26: {  	s29 =	simm.s32 $0x4;
	[sflag:s28] =	ssyncadd.s32 $0xFFFFC000  }
0x27: {  	_ =	swait.ge [sflag:s29], $0x4000  }
0x28: {  	[sflag:s29] =	ssyncset.done $0x0  }
0x29: {  	s2 =	simm.s32 $0x5;
	[sflag:s29] =	ssyncadd.s32 $0xFFFFC000  }
0x2a: {  	_ =	swait.ge [sflag:s2], $0x4000  }
0x2b: {  	s30 =	sadd.s32 $0x1, s30;
	s31 =	rddreg [dreg:$0xa]  }
0x2c: {  	p0 =	sne.s32 s30, s31  }
.Ltmp1:
0x2d: {  	_ = 	snop;
	(pc) =	sbr.rel @!p0 .LBB2_61-.Ltmp1, $3  }
0x2e: {  	_ =	sdelay $0x1  }
0x2f: {  	[sflag:s2] =	ssyncset.done $0x0  }
0x30: {  	[sflag:s2] =	ssyncadd.s32 $0xFFFFC000  }
.LBB2_1:
0x31: {  	s0 =	rddreg [dreg:$0x6]  }
0x32: {  	[tilespmem:s5], [sflag:$0x1] =	stream.linear.gather [hbm4b:s0+s5], $0x4000, $0x38;
	[tilespmem:$0x18E80] =	vst v63  }
0x33: {  	s28 =	rddreg [dreg:$0x7]  }
0x34: {  	[tilespmem:s16], [sflag:$0x2] =	stream.linear.gather [hbm4b:s28+s5], $0x4000, $0x38;
	[tilespmem:$0x18E80] =	vst v63  }
0x35: {  	s29 =	simm.s32 $0x18000;
	s2 =	rddreg [dreg:$0x2];
	s3 =	simm.s32 $0x7  }
0x36: {  	[tilespmem:s29], [sflag:$0x7] =	stream.linear.gather [hbm4b:s2+s5], $0x700, $0x38;
	[tilespmem:$0x18E80] =	vst v63  }
0x37: {  	_ =	swait.ge [sflag:s3], $0x700  }
0x38: {  	[sflag:s3] =	ssyncset.done $0x0  }
0x39: {  	s6 =	simm.s32 $0x18E00;
	s31 =	rddreg [dreg:$0x5];
	[sflag:s3] =	ssyncadd.s32 $0xFFFFF900  }
0x3a: {  	[tilespmem:s6], [sflag:$0x7] =	stream.linear.gather [hbm4b:s31+s5], $0x80, $0x38;
	[tilespmem:$0x18E80] =	vst v63  }
0x3b: {  	_ =	swait.ge [sflag:s3], $0x80  }
0x3c: {  	[sflag:s3] =	ssyncset.done $0x0  }
0x3d: {  	[sflag:s3] =	ssyncadd.s32 $0xFFFFFF80  }
0x3e: {  	v5 =	vld [tilespmem:s29+$0x0];
	_ =	sdelay $0x3  }
0x3f: {  	v4 =	vadd.s32 s5, v2  }
0x40: {  	vm1 =	vge.u32 v4, s5;
	vm2 =	vge.s32 v5, v0  }
0x41: {  	vm1 =	vmand vm1, vm2;
	vm2 =	vlt.s32 v5, v1  }
0x42: {  	vm1 =	vmand vm2, vm1  }
0x43: {  	v4 =	vsel vm1, $0x1, v3  }
0x44: {  	(xrf0) =	vadd.scan.msk.s32 $0xffff, v4;
	_ =	sdelay $0x5  }
0x45: {  	v5 =	vsub.s32 v5, v0;
	v6, _, _ =	vpop (xrf0)  }
0x46: {  	s2 =	simm.s32 $0x18010;
	v4 =	vld [tilespmem:$0x18E00];
	[tilespmem:s5+$0x18700] =	vst.msk vm1, v5;
	(v2sf) =	vpush v6, $0xF  }
0x47: {  	s0 =	simm.s32 $0x0;
	s6 =	simm.s32 $0x20;
	s3 =	simm.s32 $0x10;
	v5 =	vld [tilespmem:s2+$0x0]  }
.LBB2_2:
0x48: {  	p0 =	sne.s32 s6, $0x670;
	_ =	sdelay $0x2  }
0x49: {  	v6 =	vadd.s32 s3, v2  }
0x4a: {  	vm1 =	vge.u32 v6, s3;
	s3 =	smov.u32 s6;
	vm2 =	vge.s32 v5, v0;
	v6 =	vsub.s32 v5, v0  }
0x4b: {  	vm1 =	vmand vm1, vm2;
	vm2 =	vlt.s32 v5, v1  }
0x4c: {  	vm1 =	vmand vm2, vm1  }
0x4d: {  	v5 =	vsel vm1, $0x1, v3  }
0x4e: {  	(xrf0) =	vadd.scan.msk.s32 $0xffff, v5;
	_ =	sdelay $0x3  }
.Ltmp2:
0x4f: {  	(pc) =	sbr.rel @p0 .LBB2_2-.Ltmp2, $4  }
0x50: {  	s9 =	spop (v2sf)  }
0x51: {  	v5, _, _ =	vpop (xrf0);
	s0 =	sadd.s32 s0, s9  }
0x52: {  	s2 =	sadd.s32 $0x10, s2;
	[tilespmem:s0+$0x18700] =	vst.msk vm1, v6;
	(v2sf) =	vpush v5, $0xF  }
0x53: {  	s6 =	sadd.s32 $0x10, s6;
	v5 =	vld [tilespmem:s2+$0x0]  }
0x54: {  	_ =	sdelay $0xa  }
0x55: {  	v6 =	vadd.s32 s3, v2  }
0x56: {  	vm1 =	vge.u32 v6, s3;
	vm2 =	vge.s32 v5, v0  }
0x57: {  	vm1 =	vmand vm1, vm2;
	vm2 =	vlt.s32 v5, v1;
	s2 =	spop (v2sf)  }
0x58: {  	v5 =	vsub.s32 v5, v0;
	vm1 =	vmand vm2, vm1;
	s0 =	sadd.s32 s0, s2  }
0x59: {  	[tilespmem:s0+$0x18700] =	vst.msk vm1, v5  }
0x5a: {  	v5 =	vld [tilespmem:$0x1867E];
	_ =	sdelay $0x4  }
0x5b: {  	vm2 =	vge.s32 v5, v0;
	vm3 =	vlt.s32 v5, v1  }
0x5c: {  	vm2 =	vmand vm2, vm3  }
0x5d: {  	v6 =	vsel vm1, $0x1, v3;
	vm1 =	vmand vm2, vm0  }
0x5e: {  	(xrf0) =	vadd.scan.msk.s32 $0xffff, v6;
	v6 =	vsel vm1, $0x1, v3  }
0x5f: {  	(xrf0) =	vadd.scan.msk.s32 $0xffff, v6;
	_ =	sdelay $0x4  }
0x60: {  	v6, _, _ =	vpop (xrf0)  }
0x61: {  	(v2sf) =	vpush v6, $0xF;
	v6, _, _ =	vpop (xrf0)  }
0x62: {  	(v2sf) =	vpush v6, $0xF;
	_ =	sdelay $0xd  }
0x63: {  	v4 =	vmax.f32 v4, $9.999999740e-05;
	s18 =	spop (v2sf)  }
0x64: {  	(erf) = vrcp.f32 v4;
	s0 =	sadd.s32 s0, s18;
	s26 =	spop (v2sf)  }
0x65: {  	s2 =	sadd.s32 s0, s26  }
0x66: {  	s28 =	sadd.s32 $0xF, s2  }
0x67: {  	s6 =	sand.u32 $0xF, s28  }
0x68: {  	s29 =	sshra.s32 s28, $0x1F;
	p1 =	slt.s32 s28, $0x1;
	p0 =	sne.s32 s6, $0x0  }
.Ltmp3:
0x69: {  	s6 =	sshrl.u32 s29, $0x1C;
	p0 =	por !p1, !p0;
	(pc) =	sbr.rel .LBB2_4-.Ltmp3, $4  }
0x6a: {  	v5 =	vsub.s32 v5, v0;
	s3 =	sadd.s32 s6, s28;
	s6 =	simm.s32 $0x1;
	p0 =	por !p0, !p0  }
0x6b: {  	s3 =	sshra.s32 s3, $0x4;
	s6 =	simm.s32 @!p0 $0x0  }
0x6c: {  	s31 =	ssub.s32 s3, s6  }
0x6d: {  	[tilespmem:s0+$0x18700] =	vst.msk vm1, v5;
	v5 =	vpop (erf);
	s0 =	simm.s32 $0x0;
	v6 =	vmov s2;
	p0 =	slt.s32 s31, $0x1  }
.LBB2_32:
0x6e: {  	s6 =	simm.s32 $0x0  }
.LBB2_36:
0x6f: {  	s6 =	sadd.s32 @p1 $0x10, s6;
	v11 =	vshrl.u32 v9, $0xB;
	v63 =	vshrl.u32 v9, $0xF;
	v12 =	vand.u32 $0x7F, v9  }
0x70: {  	s2 =	smov.u32 @p1 s6;
	v11 =	vand.u32 $0x1, v11;
	vm2 =	veq.s32 v63, v8;
	v8 =	vshll.u32 v9, $0x3  }
0x71: {  	v10 =	vor.u32 s2, v2;
	vm3 =	veq.s32 v11, v7;
	v7 =	vshrl.u32 v9, $0x5  }
0x72: {  	vm1 =	vlt.s32 v10, v6;
	vm2 =	vmand vm2, vm3;
	v7 =	vand.u32 $0x380, v7  }
0x73: {  	v8 =	vand.u32 $0x3C00, v8;
	vm1 =	vmand vm2, vm1;
	v7 =	vor.u32 v12, v7  }
0x74: {  	v7 =	vor.u32 v8, v7;
	_ =	sdelay $0x4  }
0x75: {  	v8 =	vld.idx.msk [tilespmem:v7+s20+$0x0], vm1;
	_ =	sdelay $0x4  }
0x76: {  	v8 =	vmul.f32 v8, v5;
	_ =	sdelay $0x1  }
0x77: {  	v8 =	vmax.f32 v8, $-1.270000000e+02  }
0x78: {  	v8 =	vmin.f32 v8, $1.270000000e+02  }
0x79: {  	v8 =	vtrunc.f32 v8  }
0x7a: {  	v8 =	vcvt.f32.s32 v8;
	_ =	sdelay $0x1  }
0x7b: {  	v8 =	vxor.u32 $0x80, v8  }
0x7c: {  	v8 =	vcvt.s32.f32 v8;
	_ =	sdelay $0x1  }
0x7d: {  	v8 =	vmul.f32 v8, v4;
	_ =	sdelay $0x1  }
0x7e: {  	[tilespmem:v7+s25+$0x0] =	vst.idx.msk vm1, v8  }
.LBB2_37:
0x7f: {  	s0 =	sadd.s32 $0x1, s0  }
0x80: {  	p1 =	sne.s32 s0, $0xA  }
.Ltmp4:
0x81: {  	_ = 	snop;
	(pc) =	sbr.rel @!p1 .LBB2_38-.Ltmp4, $3  }
0x82: {  	_ =	sdelay $0x1  }
0x83: {  	s2 =	sadd.s32 s4, s3  }
0x84: {  	[hbm4b:s2+s5] =	stream.linear.scatter [tilespmem:s25], [sflag:$0x6], $0x4000, $0x38;
	[tilespmem:$0x18E80] =	vst v63  }
.LBB2_4:
0x85: {  	s18 =	smul.u32 $0x3, s0;
	_ =	sdelay $0x1  }
0x86: {  	s2 =	sadd.s32 $0x2, s18  }
0x87: {  	s2 =	sshrl.u32 s2, $0x1  }
0x88: {  	s13 =	sand.u32 $0x1, s18;
	s3 =	sshll.u32 s2, $0xC  }
0x89: {  	s6 =	sshll.u32 s13, $0xB;
	s3 =	sadd.s32 s7, s3  }
0x8a: {  	s3 =	sor.u32 s6, s3  }
0x8b: {  	s9 =	sadd.s32 s1, s3  }
0x8c: {  	[tilespmem:s20], [sflag:$0x3] =	stream.linear.gather [hbm4b:s9+s5], $0x4000, $0x38;
	[tilespmem:$0x18E80] =	vst v63  }
0x8d: {  	_ =	swait.ge [sflag:s19], $0x4000  }
0x8e: {  	p1 =	sne.s32 s0, $0x0;
	[sflag:s19] =	ssyncset.done $0x0  }
0x8f: {  	s9 =	simm.s32 @p1 $0x4;
	[sflag:s19] =	ssyncadd.s32 $0xFFFFC000  }
0x90: {  	_ =	swait.ge @p1 [sflag:s9], $0x4000  }
0x91: {  	s17 =	simm.s32 $0xC040;
	s15 =	simm.s32 $0x40;
	[sflag:s9] =	ssyncset.done @p1 $0x0  }
0x92: {  	s10 =	sshrl.u32 s18, $0x1;
	[sflag:s9] =	ssyncadd.s32 @p1 $0xFFFFC000;
	s9 =	simm.s32 $0x0  }
.LBB2_5:
0x93: {  	v7 =	vld [tilespmem:s15+$0x30]  }
0x94: {  	v8 =	vld [tilespmem:s15+$0xFFFFFFD0]  }
0x95: {  	v9 =	vld [tilespmem:s15+$0xFFFFFFE0]  }
0x96: {  	v10 =	vld [tilespmem:s15+$0xFFFFFFF0]  }
0x97: {  	v11 =	vld [tilespmem:s15+$0x0]  }
0x98: {  	v12 =	vld [tilespmem:s15+$0x10]  }
0x99: {  	v13 =	vld [tilespmem:s15+$0x20]  }
0x9a: {  	v14 =	vld [tilespmem:s15+$0xFFFFFFC0];
	s14 =	sadd.s32 $0x400, s15  }
0x9b: {  	v15 =	vld [tilespmem:s14+$0x30]  }
0x9c: {  	v7 =	vmul.f32 v7, v5;
	v8 =	vmul.f32 v8, v5  }
0x9d: {  	v9 =	vmul.f32 v9, v5;
	v10 =	vmul.f32 v10, v5  }
0x9e: {  	v11 =	vmul.f32 v11, v5;
	v12 =	vmul.f32 v12, v5  }
0x9f: {  	v13 =	vmul.f32 v13, v5;
	v14 =	vmul.f32 v14, v5  }
0xa0: {  	v15 =	vmul.f32 v15, v5;
	v7 =	vmax.f32 v7, $-1.270000000e+02;
	v8 =	vmax.f32 v8, $-1.270000000e+02  }
0xa1: {  	v9 =	vmax.f32 v9, $-1.270000000e+02;
	v10 =	vmax.f32 v10, $-1.270000000e+02;
	v11 =	vmax.f32 v11, $-1.270000000e+02  }
0xa2: {  	v12 =	vmax.f32 v12, $-1.270000000e+02;
	v13 =	vmax.f32 v13, $-1.270000000e+02;
	v14 =	vmax.f32 v14, $-1.270000000e+02  }
0xa3: {  	v7 =	vmin.f32 v7, $1.270000000e+02;
	v8 =	vmin.f32 v8, $1.270000000e+02;
	v9 =	vmin.f32 v9, $1.270000000e+02  }
0xa4: {  	v10 =	vmin.f32 v10, $1.270000000e+02;
	v11 =	vmin.f32 v11, $1.270000000e+02;
	v14 =	vmin.f32 v14, $1.270000000e+02  }
0xa5: {  	v12 =	vmin.f32 v12, $1.270000000e+02;
	v7 =	vadd.f32 $1.258291200e+07, v7;
	v8 =	vadd.f32 $1.258291200e+07, v8  }
0xa6: {  	v13 =	vmin.f32 v13, $1.270000000e+02;
	v14 =	vadd.f32 $1.258291200e+07, v14;
	v9 =	vadd.f32 $1.258291200e+07, v9  }
0xa7: {  	v15 =	vmax.f32 v15, $-1.270000000e+02;
	v10 =	vadd.f32 $1.258291200e+07, v10;
	v17 =	vadd.f32 $1.258291200e+07, v11  }
0xa8: {  	v16 =	vld [tilespmem:s14+$0xFFFFFFD0];
	v12 =	vadd.f32 $1.258291200e+07, v12;
	v13 =	vadd.f32 $1.258291200e+07, v13;
	v15 =	vmin.f32 v15, $1.270000000e+02  }
0xa9: {  	v18 =	vld [tilespmem:s14+$0xFFFFFFE0];
	v15 =	vadd.f32 $1.258291200e+07, v15;
	v7 =	vadd.f32 $-1.258291200e+07, v7  }
0xaa: {  	v22 =	vld [tilespmem:s14+$0x0];
	v14 =	vadd.f32 $-1.258291200e+07, v14;
	v20 =	vadd.f32 $-1.258291200e+07, v8  }
0xab: {  	v19 =	vld [tilespmem:s14+$0xFFFFFFF0];
	v11 =	vadd.f32 $-1.258291200e+07, v9;
	v9 =	vadd.f32 $-1.258291200e+07, v10  }
0xac: {  	v23 =	vld [tilespmem:s14+$0x10];
	v10 =	vadd.f32 $-1.258291200e+07, v17;
	v8 =	vadd.f32 $-1.258291200e+07, v13  }
0xad: {  	v13 =	vld [tilespmem:s14+$0xFFFFFFC0];
	v21 =	vmul.f32 v7, v4;
	v7 =	vadd.f32 $-1.258291200e+07, v12;
	v12 =	vmul.f32 v16, v5  }
0xae: {  	v15 =	vadd.f32 $-1.258291200e+07, v15;
	v16 =	vld [tilespmem:s14+$0x20];
	v17 =	vmul.f32 v14, v4;
	v14 =	vmul.f32 v18, v5  }
0xaf: {  	v18 =	vmul.f32 v20, v4;
	v20 =	vmul.f32 v22, v5  }
0xb0: {  	v19 =	vmul.f32 v19, v5;
	v24 =	vmul.f32 v15, v4  }
0xb1: {  	v12 =	vmax.f32 v12, $-1.270000000e+02;
	v14 =	vmax.f32 v14, $-1.270000000e+02;
	v20 =	vmax.f32 v20, $-1.270000000e+02  }
0xb2: {  	v61 =	vmin.f32 v12, $1.270000000e+02;
	v12 =	vmax.f32 v19, $-1.270000000e+02;
	v19 =	vmul.f32 v23, v5  }
0xb3: {  	[tilespmem:s17+$0x30] =	vst v21;
	v62 =	vmul.f32 v13, v5;
	v14 =	vmin.f32 v14, $1.270000000e+02;
	v16 =	vmul.f32 v16, v5  }
0xb4: {  	[tilespmem:s17+$0xFFFFFFC0] =	vst v17;
	v13 =	vmin.f32 v12, $1.270000000e+02;
	v17 =	vadd.f32 $1.258291200e+07, v61;
	v19 =	vmax.f32 v19, $-1.270000000e+02  }
0xb5: {  	s29 =	sadd.s32 $0x400, s17;
	[tilespmem:s17+$0xFFFFFFD0] =	vst v18;
	v15 =	vmax.f32 v62, $-1.270000000e+02;
	v12 =	vmin.f32 v19, $1.270000000e+02;
	v63 =	vmax.f32 v16, $-1.270000000e+02  }
0xb6: {  	s26 =	simm.s32 $0x80;
	s28 =	sadd.s32 $0x400, s14;
	s14 =	smov.u32 s17;
	[tilespmem:s29+$0x30] =	vst v24;
	v18 =	vmin.f32 v15, $1.270000000e+02;
	v16 =	vmin.f32 v20, $1.270000000e+02;
	v15 =	vmin.f32 v63, $1.270000000e+02  }
.LBB2_6:
0xb7: {  	v19 =	vld [tilespmem:s28+$0x30];
	s26 =	sadd.s32 $0x80, s26;
	v18 =	vadd.f32 $1.258291200e+07, v18;
	v14 =	vadd.f32 $1.258291200e+07, v14;
	v11 =	vmul.f32 v11, v4  }
0xb8: {  	v13 =	vadd.f32 $1.258291200e+07, v13;
	v16 =	vadd.f32 $1.258291200e+07, v16;
	v9 =	vmul.f32 v9, v4;
	v20 =	vld [tilespmem:s28+$0xFFFFFFD0];
	p2 =	slt.u32 s26, $0x780  }
0xb9: {  	v12 =	vadd.f32 $1.258291200e+07, v12;
	v15 =	vadd.f32 $1.258291200e+07, v15;
	v10 =	vmul.f32 v10, v4;
	v21 =	vld [tilespmem:s28+$0xFFFFFFE0];
	[tilespmem:s14+$0xFFFFFFE0] =	vst v11  }
0xba: {  	v23 =	vmul.f32 v7, v4;
	v17 =	vadd.f32 $-1.258291200e+07, v17;
	v18 =	vadd.f32 $-1.258291200e+07, v18;
	v22 =	vld [tilespmem:s28+$0xFFFFFFF0];
	[tilespmem:s14+$0xFFFFFFF0] =	vst v9  }
0xbb: {  	v11 =	vadd.f32 $-1.258291200e+07, v14;
	v9 =	vadd.f32 $-1.258291200e+07, v13;
	v13 =	vmul.f32 v8, v4;
	v24 =	vld [tilespmem:s28+$0x0];
	[tilespmem:s14+$0x0] =	vst v10  }
0xbc: {  	v7 =	vadd.f32 $-1.258291200e+07, v12;
	v10 =	vadd.f32 $-1.258291200e+07, v16;
	v14 =	vld [tilespmem:s28+$0x10];
	v19 =	vmul.f32 v19, v5;
	[tilespmem:s14+$0x10] =	vst v23  }
0xbd: {  	v8 =	vadd.f32 $-1.258291200e+07, v15;
	v18 =	vmul.f32 v18, v4;
	v12 =	vmul.f32 v20, v5;
	v16 =	vld [tilespmem:s28+$0x20];
	[tilespmem:s14+$0x20] =	vst v13;
	s14 =	smov.u32 s29  }
0xbe: {  	v17 =	vmul.f32 v17, v4;
	v13 =	vld [tilespmem:s28+$0xFFFFFFC0];
	v15 =	vmul.f32 v21, v5;
	v19 =	vmax.f32 v19, $-1.270000000e+02  }
0xbf: {  	v12 =	vmax.f32 v12, $-1.270000000e+02;
	v20 =	vmul.f32 v22, v5;
	v19 =	vmin.f32 v19, $1.270000000e+02;
	[tilespmem:s29+$0xFFFFFFC0] =	vst v18  }
0xc0: {  	v15 =	vmax.f32 v15, $-1.270000000e+02;
	v18 =	vmul.f32 v24, v5;
	v19 =	vadd.f32 $1.258291200e+07, v19;
	[tilespmem:s29+$0xFFFFFFD0] =	vst v17  }
0xc1: {  	v17 =	vmin.f32 v12, $1.270000000e+02;
	v12 =	vmax.f32 v20, $-1.270000000e+02;
	v20 =	vmul.f32 v14, v5  }
.Ltmp5:
0xc2: {  	v18 =	vmax.f32 v18, $-1.270000000e+02;
	v16 =	vmul.f32 v16, v5;
	v19 =	vadd.f32 $-1.258291200e+07, v19;
	(pc) =	sbr.rel @p2 .LBB2_6-.Ltmp5, $4  }
0xc3: {  	v14 =	vmin.f32 v15, $1.270000000e+02;
	v21 =	vmul.f32 v13, v5;
	v15 =	vmax.f32 v20, $-1.270000000e+02  }
0xc4: {  	v13 =	vmin.f32 v12, $1.270000000e+02;
	v20 =	vmax.f32 v16, $-1.270000000e+02;
	v19 =	vmul.f32 v19, v4  }
0xc5: {  	s29 =	sadd.s32 $0x400, s29;
	v16 =	vmin.f32 v18, $1.270000000e+02;
	v12 =	vmin.f32 v15, $1.270000000e+02;
	v21 =	vmax.f32 v21, $-1.270000000e+02  }
0xc6: {  	s28 =	sadd.s32 $0x400, s28;
	v17 =	vadd.f32 $1.258291200e+07, v17;
	v15 =	vmin.f32 v20, $1.270000000e+02;
	v18 =	vmin.f32 v21, $1.270000000e+02;
	[tilespmem:s29+$0x30] =	vst v19  }
0xc7: {  	v11 =	vmul.f32 v11, v4  }
0xc8: {  	v18 =	vadd.f32 $1.258291200e+07, v18;
	v9 =	vmul.f32 v9, v4  }
0xc9: {  	v10 =	vmul.f32 v10, v4;
	[tilespmem:s14+$0xFFFFFFE0] =	vst v11  }
0xca: {  	v56 =	vadd.f32 $1.258291200e+07, v14;
	v7 =	vmul.f32 v7, v4;
	v57 =	vadd.f32 $-1.258291200e+07, v18;
	[tilespmem:s14+$0xFFFFFFF0] =	vst v9  }
0xcb: {  	v58 =	vadd.f32 $1.258291200e+07, v13;
	v8 =	vmul.f32 v8, v4;
	v59 =	vadd.f32 $-1.258291200e+07, v17;
	[tilespmem:s14+$0x0] =	vst v10  }
0xcc: {  	v60 =	vadd.f32 $1.258291200e+07, v16;
	v11 =	vadd.f32 $-1.258291200e+07, v56;
	[tilespmem:s14+$0x10] =	vst v7;
	v7 =	vmul.f32 v57, v4  }
0xcd: {  	v12 =	vadd.f32 $1.258291200e+07, v12;
	v9 =	vadd.f32 $-1.258291200e+07, v58;
	[tilespmem:s14+$0x20] =	vst v8;
	v8 =	vmul.f32 v59, v4  }
0xce: {  	v61 =	vadd.f32 $1.258291200e+07, v15;
	s9 =	sadd.s32 $0x1, s9;
	v10 =	vadd.f32 $-1.258291200e+07, v60;
	[tilespmem:s29+$0xFFFFFFC0] =	vst v7;
	v7 =	vmul.f32 v11, v4  }
0xcf: {  	p2 =	seq.s32 s9, $0x8;
	v62 =	vadd.f32 $-1.258291200e+07, v12;
	[tilespmem:s29+$0xFFFFFFD0] =	vst v8;
	v8 =	vmul.f32 v9, v4  }
.Ltmp6:
0xd0: {  	v63 =	vadd.f32 $-1.258291200e+07, v61;
	[tilespmem:s29+$0xFFFFFFE0] =	vst v7;
	v7 =	vmul.f32 v10, v4;
	(pc) =	sbr.rel @!p2 .LBB2_5-.Ltmp6, $4  }
0xd1: {  	[tilespmem:s29+$0xFFFFFFF0] =	vst v8;
	v8 =	vmul.f32 v62, v4  }
0xd2: {  	[tilespmem:s29+$0x0] =	vst v7;
	v7 =	vmul.f32 v63, v4  }
0xd3: {  	[tilespmem:s29+$0x10] =	vst v8  }
0xd4: {  	s17 =	sadd.s32 $0x80, s17;
	s15 =	sadd.s32 $0x80, s15;
	[tilespmem:s29+$0x20] =	vst v7  }
.Ltmp7:
0xd5: {  	(pc) =	sbr.rel @p0 .LBB2_15-.Ltmp7, $2  }
0xd6: {  	_ =	sdelay $0x2  }
0xd7: {  	v7 =	vmov s13  }
0xd8: {  	p3 =	sne.s32 s31, $0x1  }
.Ltmp8:
0xd9: {  	_ = 	snop;
	(pc) =	sbr.rel @!p3 .LBB2_10-.Ltmp8, $3  }
0xda: {  	_ =	sdelay $0x1  }
0xdb: {  	s13 =	simm.s32 $0x18700  }
0xdc: {  	v8 =	vmov s10;
	s9 =	simm.s32 $0x0;
	p2 =	por $0x0, $0x0;
	v9 =	vld [tilespmem:s13+$0x0];
	s13 =	sadd.s32 $0xFFFFFFFF, s31  }
0xdd: {  	_ =	sdelay $0x2  }
0xde: {  	v10 =	vor.u32 s9, v2  }
0xdf: {  	vm1 =	vlt.s32 v10, v6;
	v11 =	vshrl.u32 v9, $0xB  }
0xe0: {  	v10 =	vshrl.u32 v9, $0xF;
	v12 =	vand.u32 $0x7F, v9;
	v11 =	vand.u32 $0x1, v11  }
0xe1: {  	vm2 =	veq.s32 v10, v8;
	v10 =	vshrl.u32 v9, $0x5;
	vm3 =	veq.s32 v11, v7  }
0xe2: {  	v9 =	vshll.u32 v9, $0x3;
	v10 =	vand.u32 $0x380, v10;
	vm2 =	vmand vm2, vm3  }
0xe3: {  	v9 =	vand.u32 $0x3C00, v9;
	v10 =	vor.u32 v12, v10;
	vm1 =	vmand vm2, vm1  }
0xe4: {  	v9 =	vor.u32 v9, v10;
	_ =	sdelay $0x4  }
0xe5: {  	v10 =	vld.idx.msk [tilespmem:v9+s5+$0x0], vm1;
	_ =	sdelay $0x4  }
0xe6: {  	v10 =	vmul.f32 v10, v5;
	_ =	sdelay $0x1  }
0xe7: {  	v10 =	vmax.f32 v10, $-1.270000000e+02  }
0xe8: {  	v10 =	vmin.f32 v10, $1.270000000e+02  }
0xe9: {  	v10 =	vtrunc.f32 v10  }
0xea: {  	v10 =	vcvt.f32.s32 v10;
	_ =	sdelay $0x1  }
0xeb: {  	v10 =	vxor.u32 $0x80, v10  }
0xec: {  	p3 =	sne.s32 s13, $0x1;
	v10 =	vcvt.s32.f32 v10  }
.Ltmp9:
0xed: {  	_ = 	snop;
	(pc) =	sbr.rel @!p3 .LBB2_12-.Ltmp9, $3  }
0xee: {  	v10 =	vmul.f32 v10, v4;
	_ =	sdelay $0x1  }
0xef: {  	s14 =	simm.s32 $0x18710;
	[tilespmem:v9+s21+$0x0] =	vst.idx.msk vm1, v10  }
0xf0: {  	s15 =	sadd.s32 $0xFFFFFFFF, s13;
	p2 =	por $0x1, $0x1;
	s13 =	simm.s32 $0x0;
	v9 =	vld [tilespmem:s14+$0x0]  }
.LBB2_13:
0xf1: {  	p3 =	sne.s32 s15, $0x1;
	_ =	sdelay $0x1  }
0xf2: {  	s13 =	sadd.s32 $0x10, s13  }
0xf3: {  	v10 =	vor.u32 s13, v2  }
0xf4: {  	vm1 =	vlt.s32 v10, v6;
	v11 =	vshrl.u32 v9, $0xB  }
0xf5: {  	v10 =	vshrl.u32 v9, $0xF;
	v12 =	vand.u32 $0x7F, v9;
	v11 =	vand.u32 $0x1, v11  }
0xf6: {  	vm2 =	veq.s32 v10, v8;
	v10 =	vshrl.u32 v9, $0x5;
	vm3 =	veq.s32 v11, v7  }
0xf7: {  	v9 =	vshll.u32 v9, $0x3;
	v10 =	vand.u32 $0x380, v10;
	vm2 =	vmand vm2, vm3  }
0xf8: {  	v9 =	vand.u32 $0x3C00, v9;
	v10 =	vor.u32 v12, v10;
	vm1 =	vmand vm2, vm1  }
0xf9: {  	v9 =	vor.u32 v9, v10;
	_ =	sdelay $0x4  }
0xfa: {  	v10 =	vld.idx.msk [tilespmem:v9+s5+$0x0], vm1;
	_ =	sdelay $0x5  }
0xfb: {  	v10 =	vmul.f32 v10, v5;
	_ =	sdelay $0x1  }
0xfc: {  	v10 =	vmax.f32 v10, $-1.270000000e+02  }
0xfd: {  	v10 =	vmin.f32 v10, $1.270000000e+02  }
0xfe: {  	v10 =	vtrunc.f32 v10  }
0xff: {  	v10 =	vcvt.f32.s32 v10;
	_ =	sdelay $0x1  }
0x100: {  	v10 =	vxor.u32 $0x80, v10  }
0x101: {  	v10 =	vcvt.s32.f32 v10  }
.Ltmp10:
0x102: {  	(pc) =	sbr.rel @p3 .LBB2_13-.Ltmp10, $3  }
0x103: {  	v10 =	vmul.f32 v10, v4;
	_ =	sdelay $0x1  }
0x104: {  	s14 =	sadd.s32 $0x10, s14;
	[tilespmem:v9+s21+$0x0] =	vst.idx.msk vm1, v10  }
0x105: {  	s15 =	sadd.s32 $0xFFFFFFFF, s15;
	v9 =	vld [tilespmem:s14+$0x0]  }
.LBB2_14:
0x106: {  	_ = 	snop  }
0x107: {  	s13 =	sadd.s32 @p2 $0x10, s13  }
0x108: {  	s9 =	smov.u32 @p2 s13  }
0x109: {  	v10 =	vor.u32 s9, v2  }
0x10a: {  	vm1 =	vlt.s32 v10, v6;
	v11 =	vshrl.u32 v9, $0xB  }
0x10b: {  	v62 =	vshrl.u32 v9, $0xF;
	v12 =	vand.u32 $0x7F, v9;
	v11 =	vand.u32 $0x1, v11  }
0x10c: {  	vm2 =	veq.s32 v62, v8;
	v8 =	vshrl.u32 v9, $0x5;
	vm3 =	veq.s32 v11, v7  }
0x10d: {  	v63 =	vshll.u32 v9, $0x3;
	v8 =	vand.u32 $0x380, v8;
	vm2 =	vmand vm2, vm3  }
0x10e: {  	v9 =	vand.u32 $0x3C00, v63;
	v8 =	vor.u32 v12, v8;
	vm1 =	vmand vm2, vm1  }
0x10f: {  	v8 =	vor.u32 v9, v8;
	_ =	sdelay $0x4  }
0x110: {  	v9 =	vld.idx.msk [tilespmem:v8+s5+$0x0], vm1;
	_ =	sdelay $0x4  }
0x111: {  	v9 =	vmul.f32 v9, v5;
	_ =	sdelay $0x1  }
0x112: {  	v9 =	vmax.f32 v9, $-1.270000000e+02  }
0x113: {  	v9 =	vmin.f32 v9, $1.270000000e+02  }
0x114: {  	v9 =	vtrunc.f32 v9  }
0x115: {  	v9 =	vcvt.f32.s32 v9;
	_ =	sdelay $0x1  }
0x116: {  	v9 =	vxor.u32 $0x80, v9  }
0x117: {  	v9 =	vcvt.s32.f32 v9;
	_ =	sdelay $0x1  }
0x118: {  	v9 =	vmul.f32 v9, v4;
	_ =	sdelay $0x1  }
0x119: {  	[tilespmem:v8+s21+$0x0] =	vst.idx.msk vm1, v9  }
.LBB2_15:
0x11a: {  	s9 =	sshll.u32 s10, $0xC  }
0x11b: {  	s26 =	sadd.s32 $0x3, s18;
	s9 =	sadd.s32 s9, s11  }
0x11c: {  	s28 =	sshll.u32 s26, $0x2;
	s6 =	sadd.s32 s6, s9  }
0x11d: {  	[hbm4b:s6+s5] =	stream.linear.scatter [tilespmem:s21], [sflag:$0x4], $0x4000, $0x38;
	[tilespmem:$0x18E80] =	vst v63  }
0x11e: {  	s9 =	sand.u32 $0x1F8, s28;
	s6 =	sshll.u32 s26, $0xB  }
0x11f: {  	s9 =	sadd.s32 s8, s9;
	s6 =	sand.u32 $0x800, s6  }
0x120: {  	s9 =	sshll.u32 s9, $0x9;
	s6 =	sadd.s32 s1, s6  }
0x121: {  	s6 =	sadd.s32 s9, s6  }
0x122: {  	[tilespmem:s5], [sflag:$0x1] =	stream.linear.gather [hbm4b:s6+s5], $0x4000, $0x38;
	[tilespmem:$0x18E80] =	vst v63  }
0x123: {  	_ =	swait.ge [sflag:s22], $0x4000  }
0x124: {  	[sflag:s22] =	ssyncset.done $0x0  }
0x125: {  	s9 =	simm.s32 @p1 $0x5;
	[sflag:s22] =	ssyncadd.s32 $0xFFFFC000  }
0x126: {  	s29 =	sadd.s32 $0x1, s18;
	s10 =	simm.s32 $0x0;
	_ =	swait.ge @p1 [sflag:s9], $0x4000  }
0x127: {  	s13 =	simm.s32 $0x10040;
	s18 =	sand.u32 $0x1, s29;
	[sflag:s9] =	ssyncset.done @p1 $0x0  }
0x128: {  	s6 =	sshrl.u32 s29, $0x1;
	[sflag:s9] =	ssyncadd.s32 @p1 $0xFFFFC000;
	s9 =	simm.s32 $0x4040  }
.LBB2_16:
0x129: {  	v8 =	vld [tilespmem:s9+$0x30]  }
0x12a: {  	v9 =	vld [tilespmem:s9+$0xFFFFFFD0]  }
0x12b: {  	v10 =	vld [tilespmem:s9+$0xFFFFFFE0]  }
0x12c: {  	v11 =	vld [tilespmem:s9+$0xFFFFFFF0]  }
0x12d: {  	v12 =	vld [tilespmem:s9+$0x0]  }
0x12e: {  	v13 =	vld [tilespmem:s9+$0x10]  }
0x12f: {  	v14 =	vld [tilespmem:s9+$0x20]  }
0x130: {  	v15 =	vld [tilespmem:s9+$0xFFFFFFC0];
	s15 =	sadd.s32 $0x400, s9  }
0x131: {  	v16 =	vld [tilespmem:s15+$0x30]  }
0x132: {  	v8 =	vmul.f32 v8, v5;
	v9 =	vmul.f32 v9, v5  }
0x133: {  	v10 =	vmul.f32 v10, v5;
	v11 =	vmul.f32 v11, v5  }
0x134: {  	v12 =	vmul.f32 v12, v5;
	v13 =	vmul.f32 v13, v5  }
0x135: {  	v14 =	vmul.f32 v14, v5;
	v15 =	vmul.f32 v15, v5  }
0x136: {  	v16 =	vmul.f32 v16, v5;
	v8 =	vmax.f32 v8, $-1.270000000e+02;
	v9 =	vmax.f32 v9, $-1.270000000e+02  }
0x137: {  	v10 =	vmax.f32 v10, $-1.270000000e+02;
	v11 =	vmax.f32 v11, $-1.270000000e+02;
	v12 =	vmax.f32 v12, $-1.270000000e+02  }
0x138: {  	v13 =	vmax.f32 v13, $-1.270000000e+02;
	v14 =	vmax.f32 v14, $-1.270000000e+02;
	v15 =	vmax.f32 v15, $-1.270000000e+02  }
0x139: {  	v8 =	vmin.f32 v8, $1.270000000e+02;
	v9 =	vmin.f32 v9, $1.270000000e+02;
	v10 =	vmin.f32 v10, $1.270000000e+02  }
0x13a: {  	v11 =	vmin.f32 v11, $1.270000000e+02;
	v12 =	vmin.f32 v12, $1.270000000e+02;
	v15 =	vmin.f32 v15, $1.270000000e+02  }
0x13b: {  	v13 =	vmin.f32 v13, $1.270000000e+02;
	v8 =	vadd.f32 $1.258291200e+07, v8;
	v9 =	vadd.f32 $1.258291200e+07, v9  }
0x13c: {  	v14 =	vmin.f32 v14, $1.270000000e+02;
	v15 =	vadd.f32 $1.258291200e+07, v15;
	v10 =	vadd.f32 $1.258291200e+07, v10  }
0x13d: {  	v23 =	vld [tilespmem:s15+$0x0];
	v16 =	vmax.f32 v16, $-1.270000000e+02;
	v11 =	vadd.f32 $1.258291200e+07, v11;
	v18 =	vadd.f32 $1.258291200e+07, v12  }
0x13e: {  	v17 =	vld [tilespmem:s15+$0xFFFFFFD0];
	v13 =	vadd.f32 $1.258291200e+07, v13;
	v14 =	vadd.f32 $1.258291200e+07, v14;
	v16 =	vmin.f32 v16, $1.270000000e+02  }
0x13f: {  	v19 =	vld [tilespmem:s15+$0xFFFFFFE0];
	v16 =	vadd.f32 $1.258291200e+07, v16;
	v8 =	vadd.f32 $-1.258291200e+07, v8  }
0x140: {  	v20 =	vld [tilespmem:s15+$0xFFFFFFF0];
	v15 =	vadd.f32 $-1.258291200e+07, v15;
	v21 =	vadd.f32 $-1.258291200e+07, v9  }
0x141: {  	v24 =	vld [tilespmem:s15+$0x10];
	v12 =	vadd.f32 $-1.258291200e+07, v10;
	v10 =	vadd.f32 $-1.258291200e+07, v11  }
0x142: {  	v60 =	vmul.f32 v23, v5;
	v11 =	vadd.f32 $-1.258291200e+07, v18;
	v9 =	vadd.f32 $-1.258291200e+07, v14;
	v14 =	vld [tilespmem:s15+$0xFFFFFFC0]  }
0x143: {  	v22 =	vmul.f32 v8, v4;
	v8 =	vadd.f32 $-1.258291200e+07, v13;
	v13 =	vmul.f32 v17, v5;
	v17 =	vld [tilespmem:s15+$0x20]  }
0x144: {  	v16 =	vadd.f32 $-1.258291200e+07, v16;
	v18 =	vmul.f32 v15, v4;
	v15 =	vmul.f32 v19, v5  }
0x145: {  	v20 =	vmul.f32 v20, v5;
	v19 =	vmul.f32 v21, v4;
	v21 =	vmax.f32 v60, $-1.270000000e+02  }
0x146: {  	v25 =	vmul.f32 v16, v4;
	v13 =	vmax.f32 v13, $-1.270000000e+02;
	v15 =	vmax.f32 v15, $-1.270000000e+02  }
0x147: {  	v61 =	vmin.f32 v13, $1.270000000e+02;
	v13 =	vmax.f32 v20, $-1.270000000e+02;
	v20 =	vmul.f32 v24, v5  }
0x148: {  	[tilespmem:s13+$0x30] =	vst v22;
	v62 =	vmul.f32 v14, v5;
	v15 =	vmin.f32 v15, $1.270000000e+02;
	v17 =	vmul.f32 v17, v5  }
0x149: {  	[tilespmem:s13+$0xFFFFFFC0] =	vst v18;
	v14 =	vmin.f32 v13, $1.270000000e+02;
	v18 =	vadd.f32 $1.258291200e+07, v61;
	v20 =	vmax.f32 v20, $-1.270000000e+02  }
0x14a: {  	s14 =	sadd.s32 $0x400, s13;
	[tilespmem:s13+$0xFFFFFFD0] =	vst v19;
	v16 =	vmax.f32 v62, $-1.270000000e+02;
	v13 =	vmin.f32 v20, $1.270000000e+02;
	v63 =	vmax.f32 v17, $-1.270000000e+02  }
0x14b: {  	s17 =	simm.s32 $0x80;
	s26 =	sadd.s32 $0x400, s15;
	s15 =	smov.u32 s13;
	[tilespmem:s14+$0x30] =	vst v25;
	v19 =	vmin.f32 v16, $1.270000000e+02;
	v17 =	vmin.f32 v21, $1.270000000e+02;
	v16 =	vmin.f32 v63, $1.270000000e+02  }
.LBB2_17:
0x14c: {  	v20 =	vld [tilespmem:s26+$0x30];
	s17 =	sadd.s32 $0x80, s17;
	v19 =	vadd.f32 $1.258291200e+07, v19;
	v15 =	vadd.f32 $1.258291200e+07, v15;
	v12 =	vmul.f32 v12, v4  }
0x14d: {  	v14 =	vadd.f32 $1.258291200e+07, v14;
	v17 =	vadd.f32 $1.258291200e+07, v17;
	v10 =	vmul.f32 v10, v4;
	v21 =	vld [tilespmem:s26+$0xFFFFFFD0];
	p2 =	slt.u32 s17, $0x780  }
0x14e: {  	v13 =	vadd.f32 $1.258291200e+07, v13;
	v16 =	vadd.f32 $1.258291200e+07, v16;
	v11 =	vmul.f32 v11, v4;
	v22 =	vld [tilespmem:s26+$0xFFFFFFE0];
	[tilespmem:s15+$0xFFFFFFE0] =	vst v12  }
0x14f: {  	v24 =	vmul.f32 v8, v4;
	v18 =	vadd.f32 $-1.258291200e+07, v18;
	v19 =	vadd.f32 $-1.258291200e+07, v19;
	v23 =	vld [tilespmem:s26+$0xFFFFFFF0];
	[tilespmem:s15+$0xFFFFFFF0] =	vst v10  }
0x150: {  	v12 =	vadd.f32 $-1.258291200e+07, v15;
	v10 =	vadd.f32 $-1.258291200e+07, v14;
	v14 =	vmul.f32 v9, v4;
	v25 =	vld [tilespmem:s26+$0x0];
	[tilespmem:s15+$0x0] =	vst v11  }
0x151: {  	v8 =	vadd.f32 $-1.258291200e+07, v13;
	v11 =	vadd.f32 $-1.258291200e+07, v17;
	v15 =	vld [tilespmem:s26+$0x10];
	v20 =	vmul.f32 v20, v5;
	[tilespmem:s15+$0x10] =	vst v24  }
0x152: {  	v9 =	vadd.f32 $-1.258291200e+07, v16;
	v19 =	vmul.f32 v19, v4;
	v13 =	vmul.f32 v21, v5;
	v17 =	vld [tilespmem:s26+$0x20];
	[tilespmem:s15+$0x20] =	vst v14;
	s15 =	smov.u32 s14  }
0x153: {  	v18 =	vmul.f32 v18, v4;
	v14 =	vld [tilespmem:s26+$0xFFFFFFC0];
	v16 =	vmul.f32 v22, v5;
	v20 =	vmax.f32 v20, $-1.270000000e+02  }
0x154: {  	v13 =	vmax.f32 v13, $-1.270000000e+02;
	v21 =	vmul.f32 v23, v5;
	v20 =	vmin.f32 v20, $1.270000000e+02;
	[tilespmem:s14+$0xFFFFFFC0] =	vst v19  }
0x155: {  	v16 =	vmax.f32 v16, $-1.270000000e+02;
	v19 =	vmul.f32 v25, v5;
	v20 =	vadd.f32 $1.258291200e+07, v20;
	[tilespmem:s14+$0xFFFFFFD0] =	vst v18  }
0x156: {  	v18 =	vmin.f32 v13, $1.270000000e+02;
	v13 =	vmax.f32 v21, $-1.270000000e+02;
	v21 =	vmul.f32 v15, v5  }
.Ltmp11:
0x157: {  	v19 =	vmax.f32 v19, $-1.270000000e+02;
	v17 =	vmul.f32 v17, v5;
	v20 =	vadd.f32 $-1.258291200e+07, v20;
	(pc) =	sbr.rel @p2 .LBB2_17-.Ltmp11, $4  }
0x158: {  	v15 =	vmin.f32 v16, $1.270000000e+02;
	v22 =	vmul.f32 v14, v5;
	v16 =	vmax.f32 v21, $-1.270000000e+02  }
0x159: {  	v14 =	vmin.f32 v13, $1.270000000e+02;
	v21 =	vmax.f32 v17, $-1.270000000e+02;
	v20 =	vmul.f32 v20, v4  }
0x15a: {  	s14 =	sadd.s32 $0x400, s14;
	v17 =	vmin.f32 v19, $1.270000000e+02;
	v13 =	vmin.f32 v16, $1.270000000e+02;
	v22 =	vmax.f32 v22, $-1.270000000e+02  }
0x15b: {  	s26 =	sadd.s32 $0x400, s26;
	v18 =	vadd.f32 $1.258291200e+07, v18;
	v16 =	vmin.f32 v21, $1.270000000e+02;
	v19 =	vmin.f32 v22, $1.270000000e+02;
	[tilespmem:s14+$0x30] =	vst v20  }
0x15c: {  	v12 =	vmul.f32 v12, v4  }
0x15d: {  	v19 =	vadd.f32 $1.258291200e+07, v19;
	v10 =	vmul.f32 v10, v4  }
0x15e: {  	v11 =	vmul.f32 v11, v4;
	[tilespmem:s15+$0xFFFFFFE0] =	vst v12  }
0x15f: {  	v53 =	vadd.f32 $1.258291200e+07, v15;
	v8 =	vmul.f32 v8, v4;
	v54 =	vadd.f32 $-1.258291200e+07, v19;
	[tilespmem:s15+$0xFFFFFFF0] =	vst v10  }
0x160: {  	v55 =	vadd.f32 $1.258291200e+07, v14;
	v9 =	vmul.f32 v9, v4;
	v56 =	vadd.f32 $-1.258291200e+07, v18;
	[tilespmem:s15+$0x0] =	vst v11  }
0x161: {  	v57 =	vadd.f32 $1.258291200e+07, v17;
	v12 =	vadd.f32 $-1.258291200e+07, v53;
	[tilespmem:s15+$0x10] =	vst v8;
	v8 =	vmul.f32 v54, v4  }
0x162: {  	v13 =	vadd.f32 $1.258291200e+07, v13;
	v10 =	vadd.f32 $-1.258291200e+07, v55;
	[tilespmem:s15+$0x20] =	vst v9;
	v58 =	vmul.f32 v56, v4  }
0x163: {  	v59 =	vadd.f32 $1.258291200e+07, v16;
	s10 =	sadd.s32 $0x1, s10;
	v11 =	vadd.f32 $-1.258291200e+07, v57;
	[tilespmem:s14+$0xFFFFFFC0] =	vst v8;
	v8 =	vmul.f32 v12, v4  }
0x164: {  	p2 =	seq.s32 s10, $0x8;
	v60 =	vadd.f32 $-1.258291200e+07, v13;
	v61 =	vmul.f32 v10, v4;
	[tilespmem:s14+$0xFFFFFFD0] =	vst v58  }
.Ltmp12:
0x165: {  	v62 =	vadd.f32 $-1.258291200e+07, v59;
	[tilespmem:s14+$0xFFFFFFE0] =	vst v8;
	v8 =	vmul.f32 v11, v4;
	(pc) =	sbr.rel @!p2 .LBB2_16-.Ltmp12, $4  }
0x166: {  	v63 =	vmul.f32 v60, v4;
	[tilespmem:s14+$0xFFFFFFF0] =	vst v61  }
0x167: {  	[tilespmem:s14+$0x0] =	vst v8;
	v8 =	vmul.f32 v62, v4  }
0x168: {  	[tilespmem:s14+$0x10] =	vst v63  }
0x169: {  	s13 =	sadd.s32 $0x80, s13;
	s9 =	sadd.s32 $0x80, s9;
	[tilespmem:s14+$0x20] =	vst v8  }
.Ltmp13:
0x16a: {  	(pc) =	sbr.rel @p0 .LBB2_26-.Ltmp13, $1  }
0x16b: {  	_ =	sdelay $0x3  }
0x16c: {  	p3 =	sne.s32 s31, $0x1  }
.Ltmp14:
0x16d: {  	_ = 	snop;
	(pc) =	sbr.rel @!p3 .LBB2_21-.Ltmp14, $3  }
0x16e: {  	_ =	sdelay $0x1  }
0x16f: {  	s10 =	simm.s32 $0x18700  }
0x170: {  	v8 =	vmov s6;
	v9 =	vmov s18;
	s9 =	simm.s32 $0x0;
	p2 =	por $0x0, $0x0;
	v10 =	vld [tilespmem:s10+$0x0];
	s10 =	sadd.s32 $0xFFFFFFFF, s31  }
0x171: {  	_ =	sdelay $0x2  }
0x172: {  	v11 =	vor.u32 s9, v2  }
0x173: {  	vm1 =	vlt.s32 v11, v6;
	v12 =	vshrl.u32 v10, $0xB  }
0x174: {  	v11 =	vshrl.u32 v10, $0xF;
	v13 =	vand.u32 $0x7F, v10;
	v12 =	vand.u32 $0x1, v12  }
0x175: {  	vm2 =	veq.s32 v11, v8;
	v11 =	vshrl.u32 v10, $0x5;
	vm3 =	veq.s32 v12, v9  }
0x176: {  	v10 =	vshll.u32 v10, $0x3;
	v11 =	vand.u32 $0x380, v11;
	vm2 =	vmand vm2, vm3  }
0x177: {  	v10 =	vand.u32 $0x3C00, v10;
	v11 =	vor.u32 v13, v11;
	vm1 =	vmand vm2, vm1  }
0x178: {  	v10 =	vor.u32 v10, v11;
	_ =	sdelay $0x4  }
0x179: {  	v11 =	vld.idx.msk [tilespmem:v10+s16+$0x0], vm1;
	_ =	sdelay $0x4  }
0x17a: {  	v11 =	vmul.f32 v11, v5;
	_ =	sdelay $0x1  }
0x17b: {  	v11 =	vmax.f32 v11, $-1.270000000e+02  }
0x17c: {  	v11 =	vmin.f32 v11, $1.270000000e+02  }
0x17d: {  	v11 =	vtrunc.f32 v11  }
0x17e: {  	v11 =	vcvt.f32.s32 v11;
	_ =	sdelay $0x1  }
0x17f: {  	v11 =	vxor.u32 $0x80, v11  }
0x180: {  	p3 =	sne.s32 s10, $0x1;
	v11 =	vcvt.s32.f32 v11  }
.Ltmp15:
0x181: {  	_ = 	snop;
	(pc) =	sbr.rel @!p3 .LBB2_23-.Ltmp15, $3  }
0x182: {  	v11 =	vmul.f32 v11, v4;
	_ =	sdelay $0x1  }
0x183: {  	s13 =	simm.s32 $0x18710;
	[tilespmem:v10+s23+$0x0] =	vst.idx.msk vm1, v11  }
0x184: {  	s14 =	sadd.s32 $0xFFFFFFFF, s10;
	p2 =	por $0x1, $0x1;
	s10 =	simm.s32 $0x0;
	v10 =	vld [tilespmem:s13+$0x0]  }
.LBB2_24:
0x185: {  	p3 =	sne.s32 s14, $0x1;
	_ =	sdelay $0x1  }
0x186: {  	s10 =	sadd.s32 $0x10, s10  }
0x187: {  	v11 =	vor.u32 s10, v2  }
0x188: {  	vm1 =	vlt.s32 v11, v6;
	v12 =	vshrl.u32 v10, $0xB  }
0x189: {  	v11 =	vshrl.u32 v10, $0xF;
	v13 =	vand.u32 $0x7F, v10;
	v12 =	vand.u32 $0x1, v12  }
0x18a: {  	vm2 =	veq.s32 v11, v8;
	v11 =	vshrl.u32 v10, $0x5;
	vm3 =	veq.s32 v12, v9  }
0x18b: {  	v10 =	vshll.u32 v10, $0x3;
	v11 =	vand.u32 $0x380, v11;
	vm2 =	vmand vm2, vm3  }
0x18c: {  	v10 =	vand.u32 $0x3C00, v10;
	v11 =	vor.u32 v13, v11;
	vm1 =	vmand vm2, vm1  }
0x18d: {  	v10 =	vor.u32 v10, v11;
	_ =	sdelay $0x4  }
0x18e: {  	v11 =	vld.idx.msk [tilespmem:v10+s16+$0x0], vm1;
	_ =	sdelay $0x5  }
0x18f: {  	v11 =	vmul.f32 v11, v5;
	_ =	sdelay $0x1  }
0x190: {  	v11 =	vmax.f32 v11, $-1.270000000e+02  }
0x191: {  	v11 =	vmin.f32 v11, $1.270000000e+02  }
0x192: {  	v11 =	vtrunc.f32 v11  }
0x193: {  	v11 =	vcvt.f32.s32 v11;
	_ =	sdelay $0x1  }
0x194: {  	v11 =	vxor.u32 $0x80, v11  }
0x195: {  	v11 =	vcvt.s32.f32 v11  }
.Ltmp16:
0x196: {  	(pc) =	sbr.rel @p3 .LBB2_24-.Ltmp16, $3  }
0x197: {  	v11 =	vmul.f32 v11, v4;
	_ =	sdelay $0x1  }
0x198: {  	s13 =	sadd.s32 $0x10, s13;
	[tilespmem:v10+s23+$0x0] =	vst.idx.msk vm1, v11  }
0x199: {  	s14 =	sadd.s32 $0xFFFFFFFF, s14;
	v10 =	vld [tilespmem:s13+$0x0]  }
.LBB2_25:
0x19a: {  	_ = 	snop  }
0x19b: {  	s10 =	sadd.s32 @p2 $0x10, s10  }
0x19c: {  	s9 =	smov.u32 @p2 s10  }
0x19d: {  	v11 =	vor.u32 s9, v2  }
0x19e: {  	vm1 =	vlt.s32 v11, v6;
	v12 =	vshrl.u32 v10, $0xB  }
0x19f: {  	v62 =	vshrl.u32 v10, $0xF;
	v13 =	vand.u32 $0x7F, v10;
	v12 =	vand.u32 $0x1, v12  }
0x1a0: {  	vm2 =	veq.s32 v62, v8;
	v8 =	vshrl.u32 v10, $0x5;
	vm3 =	veq.s32 v12, v9  }
0x1a1: {  	v63 =	vshll.u32 v10, $0x3;
	v8 =	vand.u32 $0x380, v8;
	vm2 =	vmand vm2, vm3  }
0x1a2: {  	v9 =	vand.u32 $0x3C00, v63;
	v8 =	vor.u32 v13, v8;
	vm1 =	vmand vm2, vm1  }
0x1a3: {  	v8 =	vor.u32 v9, v8;
	_ =	sdelay $0x4  }
0x1a4: {  	v9 =	vld.idx.msk [tilespmem:v8+s16+$0x0], vm1;
	_ =	sdelay $0x4  }
0x1a5: {  	v9 =	vmul.f32 v9, v5;
	_ =	sdelay $0x1  }
0x1a6: {  	v9 =	vmax.f32 v9, $-1.270000000e+02  }
0x1a7: {  	v9 =	vmin.f32 v9, $1.270000000e+02  }
0x1a8: {  	v9 =	vtrunc.f32 v9  }
0x1a9: {  	v9 =	vcvt.f32.s32 v9;
	_ =	sdelay $0x1  }
0x1aa: {  	v9 =	vxor.u32 $0x80, v9  }
0x1ab: {  	v9 =	vcvt.s32.f32 v9;
	_ =	sdelay $0x1  }
0x1ac: {  	v9 =	vmul.f32 v9, v4;
	_ =	sdelay $0x1  }
0x1ad: {  	[tilespmem:v8+s23+$0x0] =	vst.idx.msk vm1, v9  }
.LBB2_26:
0x1ae: {  	s6 =	sshll.u32 s6, $0xC;
	s26 =	smul.u32 $0xC, s0  }
0x1af: {  	s9 =	sshll.u32 s18, $0xB;
	s6 =	sadd.s32 s6, s11  }
0x1b0: {  	s29 =	sshll.u32 s0, $0xB;
	s6 =	sadd.s32 s9, s6;
	s28 =	sand.u32 $0xF8, s26  }
0x1b1: {  	[hbm4b:s6+s5] =	stream.linear.scatter [tilespmem:s23], [sflag:$0x5], $0x4000, $0x38;
	[tilespmem:$0x18E80] =	vst v63  }
0x1b2: {  	s9 =	sand.u32 $0x800, s29;
	s6 =	sadd.s32 s28, s12  }
0x1b3: {  	s9 =	sadd.s32 s1, s9;
	s6 =	sshll.u32 s6, $0x9  }
0x1b4: {  	s6 =	sadd.s32 s6, s9  }
0x1b5: {  	[tilespmem:s16], [sflag:$0x2] =	stream.linear.gather [hbm4b:s6+s5], $0x4000, $0x38;
	[tilespmem:$0x18E80] =	vst v63  }
0x1b6: {  	_ =	swait.ge [sflag:s24], $0x4000  }
0x1b7: {  	[sflag:s24] =	ssyncset.done $0x0  }
0x1b8: {  	s6 =	simm.s32 @p1 $0x6;
	[sflag:s24] =	ssyncadd.s32 $0xFFFFC000  }
0x1b9: {  	_ =	swait.ge @p1 [sflag:s6], $0x4000  }
0x1ba: {  	s10 =	simm.s32 $0x14040;
	[sflag:s6] =	ssyncset.done @p1 $0x0  }
0x1bb: {  	s9 =	simm.s32 $0x8040;
	[sflag:s6] =	ssyncadd.s32 @p1 $0xFFFFC000;
	s6 =	simm.s32 $0x0  }
.LBB2_27:
0x1bc: {  	v8 =	vld [tilespmem:s9+$0x30]  }
0x1bd: {  	v9 =	vld [tilespmem:s9+$0xFFFFFFD0]  }
0x1be: {  	v10 =	vld [tilespmem:s9+$0xFFFFFFE0]  }
0x1bf: {  	v11 =	vld [tilespmem:s9+$0xFFFFFFF0]  }
0x1c0: {  	v12 =	vld [tilespmem:s9+$0x0]  }
0x1c1: {  	v13 =	vld [tilespmem:s9+$0x10]  }
0x1c2: {  	v14 =	vld [tilespmem:s9+$0x20]  }
0x1c3: {  	v15 =	vld [tilespmem:s9+$0xFFFFFFC0];
	s14 =	sadd.s32 $0x400, s9  }
0x1c4: {  	v16 =	vld [tilespmem:s14+$0x30]  }
0x1c5: {  	v8 =	vmul.f32 v8, v5;
	v9 =	vmul.f32 v9, v5  }
0x1c6: {  	v10 =	vmul.f32 v10, v5;
	v11 =	vmul.f32 v11, v5  }
0x1c7: {  	v12 =	vmul.f32 v12, v5;
	v13 =	vmul.f32 v13, v5  }
0x1c8: {  	v14 =	vmul.f32 v14, v5;
	v15 =	vmul.f32 v15, v5  }
0x1c9: {  	v16 =	vmul.f32 v16, v5;
	v8 =	vmax.f32 v8, $-1.270000000e+02;
	v9 =	vmax.f32 v9, $-1.270000000e+02  }
0x1ca: {  	v10 =	vmax.f32 v10, $-1.270000000e+02;
	v11 =	vmax.f32 v11, $-1.270000000e+02;
	v12 =	vmax.f32 v12, $-1.270000000e+02  }
0x1cb: {  	v13 =	vmax.f32 v13, $-1.270000000e+02;
	v14 =	vmax.f32 v14, $-1.270000000e+02;
	v15 =	vmax.f32 v15, $-1.270000000e+02  }
0x1cc: {  	v8 =	vmin.f32 v8, $1.270000000e+02;
	v9 =	vmin.f32 v9, $1.270000000e+02;
	v10 =	vmin.f32 v10, $1.270000000e+02  }
0x1cd: {  	v11 =	vmin.f32 v11, $1.270000000e+02;
	v12 =	vmin.f32 v12, $1.270000000e+02;
	v15 =	vmin.f32 v15, $1.270000000e+02  }
0x1ce: {  	v13 =	vmin.f32 v13, $1.270000000e+02;
	v8 =	vadd.f32 $1.258291200e+07, v8;
	v9 =	vadd.f32 $1.258291200e+07, v9  }
0x1cf: {  	v14 =	vmin.f32 v14, $1.270000000e+02;
	v15 =	vadd.f32 $1.258291200e+07, v15;
	v10 =	vadd.f32 $1.258291200e+07, v10  }
0x1d0: {  	v23 =	vld [tilespmem:s14+$0x0];
	v16 =	vmax.f32 v16, $-1.270000000e+02;
	v11 =	vadd.f32 $1.258291200e+07, v11;
	v18 =	vadd.f32 $1.258291200e+07, v12  }
0x1d1: {  	v17 =	vld [tilespmem:s14+$0xFFFFFFD0];
	v13 =	vadd.f32 $1.258291200e+07, v13;
	v14 =	vadd.f32 $1.258291200e+07, v14;
	v16 =	vmin.f32 v16, $1.270000000e+02  }
0x1d2: {  	v19 =	vld [tilespmem:s14+$0xFFFFFFE0];
	v16 =	vadd.f32 $1.258291200e+07, v16;
	v8 =	vadd.f32 $-1.258291200e+07, v8  }
0x1d3: {  	v20 =	vld [tilespmem:s14+$0xFFFFFFF0];
	v15 =	vadd.f32 $-1.258291200e+07, v15;
	v21 =	vadd.f32 $-1.258291200e+07, v9  }
0x1d4: {  	v24 =	vld [tilespmem:s14+$0x10];
	v12 =	vadd.f32 $-1.258291200e+07, v10;
	v10 =	vadd.f32 $-1.258291200e+07, v11  }
0x1d5: {  	v60 =	vmul.f32 v23, v5;
	v11 =	vadd.f32 $-1.258291200e+07, v18;
	v9 =	vadd.f32 $-1.258291200e+07, v14;
	v14 =	vld [tilespmem:s14+$0xFFFFFFC0]  }
0x1d6: {  	v22 =	vmul.f32 v8, v4;
	v8 =	vadd.f32 $-1.258291200e+07, v13;
	v13 =	vmul.f32 v17, v5;
	v17 =	vld [tilespmem:s14+$0x20]  }
0x1d7: {  	v16 =	vadd.f32 $-1.258291200e+07, v16;
	v18 =	vmul.f32 v15, v4;
	v15 =	vmul.f32 v19, v5  }
0x1d8: {  	v20 =	vmul.f32 v20, v5;
	v19 =	vmul.f32 v21, v4;
	v21 =	vmax.f32 v60, $-1.270000000e+02  }
0x1d9: {  	v25 =	vmul.f32 v16, v4;
	v13 =	vmax.f32 v13, $-1.270000000e+02;
	v15 =	vmax.f32 v15, $-1.270000000e+02  }
0x1da: {  	v61 =	vmin.f32 v13, $1.270000000e+02;
	v13 =	vmax.f32 v20, $-1.270000000e+02;
	v20 =	vmul.f32 v24, v5  }
0x1db: {  	[tilespmem:s10+$0x30] =	vst v22;
	v62 =	vmul.f32 v14, v5;
	v15 =	vmin.f32 v15, $1.270000000e+02;
	v17 =	vmul.f32 v17, v5  }
0x1dc: {  	[tilespmem:s10+$0xFFFFFFC0] =	vst v18;
	v14 =	vmin.f32 v13, $1.270000000e+02;
	v18 =	vadd.f32 $1.258291200e+07, v61;
	v20 =	vmax.f32 v20, $-1.270000000e+02  }
0x1dd: {  	s13 =	sadd.s32 $0x400, s10;
	[tilespmem:s10+$0xFFFFFFD0] =	vst v19;
	v16 =	vmax.f32 v62, $-1.270000000e+02;
	v13 =	vmin.f32 v20, $1.270000000e+02;
	v63 =	vmax.f32 v17, $-1.270000000e+02  }
0x1de: {  	s15 =	simm.s32 $0x80;
	s17 =	sadd.s32 $0x400, s14;
	s14 =	smov.u32 s10;
	[tilespmem:s13+$0x30] =	vst v25;
	v19 =	vmin.f32 v16, $1.270000000e+02;
	v17 =	vmin.f32 v21, $1.270000000e+02;
	v16 =	vmin.f32 v63, $1.270000000e+02  }
.LBB2_28:
0x1df: {  	v20 =	vld [tilespmem:s17+$0x30];
	s15 =	sadd.s32 $0x80, s15;
	v19 =	vadd.f32 $1.258291200e+07, v19;
	v15 =	vadd.f32 $1.258291200e+07, v15;
	v12 =	vmul.f32 v12, v4  }
0x1e0: {  	v14 =	vadd.f32 $1.258291200e+07, v14;
	v17 =	vadd.f32 $1.258291200e+07, v17;
	v10 =	vmul.f32 v10, v4;
	v21 =	vld [tilespmem:s17+$0xFFFFFFD0];
	p1 =	slt.u32 s15, $0x780  }
0x1e1: {  	v13 =	vadd.f32 $1.258291200e+07, v13;
	v16 =	vadd.f32 $1.258291200e+07, v16;
	v11 =	vmul.f32 v11, v4;
	v22 =	vld [tilespmem:s17+$0xFFFFFFE0];
	[tilespmem:s14+$0xFFFFFFE0] =	vst v12  }
0x1e2: {  	v24 =	vmul.f32 v8, v4;
	v18 =	vadd.f32 $-1.258291200e+07, v18;
	v19 =	vadd.f32 $-1.258291200e+07, v19;
	v23 =	vld [tilespmem:s17+$0xFFFFFFF0];
	[tilespmem:s14+$0xFFFFFFF0] =	vst v10  }
0x1e3: {  	v12 =	vadd.f32 $-1.258291200e+07, v15;
	v10 =	vadd.f32 $-1.258291200e+07, v14;
	v14 =	vmul.f32 v9, v4;
	v25 =	vld [tilespmem:s17+$0x0];
	[tilespmem:s14+$0x0] =	vst v11  }
0x1e4: {  	v8 =	vadd.f32 $-1.258291200e+07, v13;
	v11 =	vadd.f32 $-1.258291200e+07, v17;
	v15 =	vld [tilespmem:s17+$0x10];
	v20 =	vmul.f32 v20, v5;
	[tilespmem:s14+$0x10] =	vst v24  }
0x1e5: {  	v9 =	vadd.f32 $-1.258291200e+07, v16;
	v19 =	vmul.f32 v19, v4;
	v13 =	vmul.f32 v21, v5;
	v17 =	vld [tilespmem:s17+$0x20];
	[tilespmem:s14+$0x20] =	vst v14;
	s14 =	smov.u32 s13  }
0x1e6: {  	v18 =	vmul.f32 v18, v4;
	v14 =	vld [tilespmem:s17+$0xFFFFFFC0];
	v16 =	vmul.f32 v22, v5;
	v20 =	vmax.f32 v20, $-1.270000000e+02  }
0x1e7: {  	v13 =	vmax.f32 v13, $-1.270000000e+02;
	v21 =	vmul.f32 v23, v5;
	v20 =	vmin.f32 v20, $1.270000000e+02;
	[tilespmem:s13+$0xFFFFFFC0] =	vst v19  }
0x1e8: {  	v16 =	vmax.f32 v16, $-1.270000000e+02;
	v19 =	vmul.f32 v25, v5;
	v20 =	vadd.f32 $1.258291200e+07, v20;
	[tilespmem:s13+$0xFFFFFFD0] =	vst v18  }
0x1e9: {  	v18 =	vmin.f32 v13, $1.270000000e+02;
	v13 =	vmax.f32 v21, $-1.270000000e+02;
	v21 =	vmul.f32 v15, v5  }
.Ltmp17:
0x1ea: {  	v19 =	vmax.f32 v19, $-1.270000000e+02;
	v17 =	vmul.f32 v17, v5;
	v20 =	vadd.f32 $-1.258291200e+07, v20;
	(pc) =	sbr.rel @p1 .LBB2_28-.Ltmp17, $4  }
0x1eb: {  	v15 =	vmin.f32 v16, $1.270000000e+02;
	v22 =	vmul.f32 v14, v5;
	v16 =	vmax.f32 v21, $-1.270000000e+02  }
0x1ec: {  	v14 =	vmin.f32 v13, $1.270000000e+02;
	v21 =	vmax.f32 v17, $-1.270000000e+02;
	v20 =	vmul.f32 v20, v4  }
0x1ed: {  	s13 =	sadd.s32 $0x400, s13;
	v17 =	vmin.f32 v19, $1.270000000e+02;
	v13 =	vmin.f32 v16, $1.270000000e+02;
	v22 =	vmax.f32 v22, $-1.270000000e+02  }
0x1ee: {  	s17 =	sadd.s32 $0x400, s17;
	v18 =	vadd.f32 $1.258291200e+07, v18;
	v16 =	vmin.f32 v21, $1.270000000e+02;
	v19 =	vmin.f32 v22, $1.270000000e+02;
	[tilespmem:s13+$0x30] =	vst v20  }
0x1ef: {  	v12 =	vmul.f32 v12, v4  }
0x1f0: {  	v19 =	vadd.f32 $1.258291200e+07, v19;
	v10 =	vmul.f32 v10, v4  }
0x1f1: {  	v11 =	vmul.f32 v11, v4;
	[tilespmem:s14+$0xFFFFFFE0] =	vst v12  }
0x1f2: {  	v53 =	vadd.f32 $1.258291200e+07, v15;
	v8 =	vmul.f32 v8, v4;
	v54 =	vadd.f32 $-1.258291200e+07, v19;
	[tilespmem:s14+$0xFFFFFFF0] =	vst v10  }
0x1f3: {  	v55 =	vadd.f32 $1.258291200e+07, v14;
	v9 =	vmul.f32 v9, v4;
	v56 =	vadd.f32 $-1.258291200e+07, v18;
	[tilespmem:s14+$0x0] =	vst v11  }
0x1f4: {  	v57 =	vadd.f32 $1.258291200e+07, v17;
	v12 =	vadd.f32 $-1.258291200e+07, v53;
	[tilespmem:s14+$0x10] =	vst v8;
	v8 =	vmul.f32 v54, v4  }
0x1f5: {  	v13 =	vadd.f32 $1.258291200e+07, v13;
	v10 =	vadd.f32 $-1.258291200e+07, v55;
	[tilespmem:s14+$0x20] =	vst v9;
	v58 =	vmul.f32 v56, v4  }
0x1f6: {  	v59 =	vadd.f32 $1.258291200e+07, v16;
	s6 =	sadd.s32 $0x1, s6;
	v11 =	vadd.f32 $-1.258291200e+07, v57;
	[tilespmem:s13+$0xFFFFFFC0] =	vst v8;
	v8 =	vmul.f32 v12, v4  }
0x1f7: {  	p1 =	seq.s32 s6, $0x8;
	v60 =	vadd.f32 $-1.258291200e+07, v13;
	v61 =	vmul.f32 v10, v4;
	[tilespmem:s13+$0xFFFFFFD0] =	vst v58  }
.Ltmp18:
0x1f8: {  	v62 =	vadd.f32 $-1.258291200e+07, v59;
	[tilespmem:s13+$0xFFFFFFE0] =	vst v8;
	v8 =	vmul.f32 v11, v4;
	(pc) =	sbr.rel @!p1 .LBB2_27-.Ltmp18, $4  }
0x1f9: {  	v63 =	vmul.f32 v60, v4;
	[tilespmem:s13+$0xFFFFFFF0] =	vst v61  }
0x1fa: {  	[tilespmem:s13+$0x0] =	vst v8;
	v8 =	vmul.f32 v62, v4  }
0x1fb: {  	[tilespmem:s13+$0x10] =	vst v63  }
0x1fc: {  	s10 =	sadd.s32 $0x80, s10;
	s9 =	sadd.s32 $0x80, s9;
	[tilespmem:s13+$0x20] =	vst v8  }
.Ltmp19:
0x1fd: {  	(pc) =	sbr.rel @p0 .LBB2_37-.Ltmp19, $1  }
0x1fe: {  	_ =	sdelay $0x3  }
0x1ff: {  	s6 =	simm.s32 $0x18700;
	p2 =	sne.s32 s31, $0x1  }
.Ltmp20:
0x200: {  	v9 =	vld [tilespmem:s6+$0x0];
	(pc) =	sbr.rel @!p2 .LBB2_32-.Ltmp20, $2  }
0x201: {  	_ =	sdelay $0x2  }
0x202: {  	v8 =	vmov s2;
	s2 =	simm.s32 $0x0;
	p1 =	por $0x0, $0x0;
	s6 =	sadd.s32 $0xFFFFFFFF, s31  }
0x203: {  	v10 =	vor.u32 s2, v2;
	v11 =	vshrl.u32 v9, $0xB;
	v12 =	vand.u32 $0x7F, v9  }
0x204: {  	vm1 =	vlt.s32 v10, v6;
	v10 =	vshrl.u32 v9, $0xF;
	v11 =	vand.u32 $0x1, v11  }
0x205: {  	vm2 =	veq.s32 v10, v8;
	vm3 =	veq.s32 v11, v7;
	v10 =	vshrl.u32 v9, $0x5  }
0x206: {  	v9 =	vshll.u32 v9, $0x3;
	vm2 =	vmand vm2, vm3;
	v10 =	vand.u32 $0x380, v10  }
0x207: {  	v9 =	vand.u32 $0x3C00, v9;
	vm1 =	vmand vm2, vm1;
	v10 =	vor.u32 v12, v10  }
0x208: {  	v9 =	vor.u32 v9, v10;
	_ =	sdelay $0x4  }
0x209: {  	v10 =	vld.idx.msk [tilespmem:v9+s20+$0x0], vm1;
	_ =	sdelay $0x4  }
0x20a: {  	v10 =	vmul.f32 v10, v5;
	_ =	sdelay $0x1  }
0x20b: {  	v10 =	vmax.f32 v10, $-1.270000000e+02  }
0x20c: {  	v10 =	vmin.f32 v10, $1.270000000e+02  }
0x20d: {  	v10 =	vtrunc.f32 v10  }
0x20e: {  	v10 =	vcvt.f32.s32 v10;
	_ =	sdelay $0x1  }
0x20f: {  	v10 =	vxor.u32 $0x80, v10  }
0x210: {  	v10 =	vcvt.s32.f32 v10;
	_ =	sdelay $0x1  }
0x211: {  	v10 =	vmul.f32 v10, v4;
	_ =	sdelay $0x1  }
0x212: {  	p2 =	sne.s32 s6, $0x1;
	s9 =	simm.s32 $0x18710;
	[tilespmem:v9+s25+$0x0] =	vst.idx.msk vm1, v10  }
.Ltmp21:
0x213: {  	v9 =	vld [tilespmem:s9+$0x0];
	(pc) =	sbr.rel @!p2 .LBB2_34-.Ltmp21, $2  }
0x214: {  	_ =	sdelay $0x2  }
0x215: {  	s10 =	sadd.s32 $0xFFFFFFFF, s6;
	p1 =	por $0x1, $0x1;
	s6 =	simm.s32 $0x0  }
.LBB2_35:
0x216: {  	p2 =	sne.s32 s10, $0x1;
	_ =	sdelay $0x1  }
0x217: {  	s6 =	sadd.s32 $0x10, s6  }
0x218: {  	v10 =	vor.u32 s6, v2  }
0x219: {  	v11 =	vshrl.u32 v9, $0xB;
	vm1 =	vlt.s32 v10, v6  }
0x21a: {  	v12 =	vand.u32 $0x7F, v9;
	v11 =	vand.u32 $0x1, v11;
	v10 =	vshrl.u32 v9, $0xF  }
0x21b: {  	vm3 =	veq.s32 v11, v7;
	vm2 =	veq.s32 v10, v8;
	v10 =	vshrl.u32 v9, $0x5  }
0x21c: {  	v9 =	vshll.u32 v9, $0x3;
	vm2 =	vmand vm2, vm3;
	v10 =	vand.u32 $0x380, v10  }
0x21d: {  	v9 =	vand.u32 $0x3C00, v9;
	vm1 =	vmand vm2, vm1;
	v10 =	vor.u32 v12, v10  }
0x21e: {  	v9 =	vor.u32 v9, v10;
	_ =	sdelay $0x4  }
0x21f: {  	v10 =	vld.idx.msk [tilespmem:v9+s20+$0x0], vm1;
	_ =	sdelay $0x5  }
0x220: {  	v10 =	vmul.f32 v10, v5;
	_ =	sdelay $0x1  }
0x221: {  	v10 =	vmax.f32 v10, $-1.270000000e+02  }
0x222: {  	v10 =	vmin.f32 v10, $1.270000000e+02  }
0x223: {  	v10 =	vtrunc.f32 v10  }
0x224: {  	v10 =	vcvt.f32.s32 v10;
	_ =	sdelay $0x1  }
0x225: {  	v10 =	vxor.u32 $0x80, v10  }
0x226: {  	v10 =	vcvt.s32.f32 v10  }
.Ltmp22:
0x227: {  	(pc) =	sbr.rel @p2 .LBB2_35-.Ltmp22, $3  }
0x228: {  	v10 =	vmul.f32 v10, v4;
	_ =	sdelay $0x1  }
0x229: {  	s9 =	sadd.s32 $0x10, s9;
	[tilespmem:v9+s25+$0x0] =	vst.idx.msk vm1, v10  }
0x22a: {  	s10 =	sadd.s32 $0xFFFFFFFF, s10;
	v9 =	vld [tilespmem:s9+$0x0]  }
.Ltmp23:
0x22b: {  	_ = 	snop;
	(pc) =	sbr.rel .LBB2_36-.Ltmp23, $1  }
0x22c: {  	_ =	sdelay $0x3  }
.LBB2_10:
.Ltmp24:
0x22d: {  	(pc) =	sbr.rel .LBB2_14-.Ltmp24, $2  }
0x22e: {  	_ =	sdelay $0x2  }
0x22f: {  	s13 =	simm.s32 $0x0  }
.LBB2_21:
.Ltmp25:
0x230: {  	(pc) =	sbr.rel .LBB2_25-.Ltmp25, $2  }
0x231: {  	_ =	sdelay $0x2  }
0x232: {  	s10 =	simm.s32 $0x0  }
.LBB2_12:
.Ltmp26:
0x233: {  	(pc) =	sbr.rel .LBB2_14-.Ltmp26, $2  }
0x234: {  	_ =	sdelay $0x2  }
0x235: {  	s13 =	simm.s32 $0x0  }
.LBB2_23:
.Ltmp27:
0x236: {  	(pc) =	sbr.rel .LBB2_25-.Ltmp27, $2  }
0x237: {  	_ =	sdelay $0x2  }
0x238: {  	s10 =	simm.s32 $0x0  }
.LBB2_34:
.Ltmp28:
0x239: {  	(pc) =	sbr.rel .LBB2_36-.Ltmp28, $2  }
0x23a: {  	_ =	sdelay $0x2  }
0x23b: {  	s6 =	simm.s32 $0x0  }
.LBB2_38:
0x23c: {  	_ =	swait.ge [sflag:s19], $0x4000  }
0x23d: {  	[sflag:s19] =	ssyncset.done $0x0  }
0x23e: {  	s0 =	simm.s32 $0x4;
	[sflag:s19] =	ssyncadd.s32 $0xFFFFC000  }
0x23f: {  	_ =	swait.ge [sflag:s0], $0x4000  }
0x240: {  	s2 =	simm.s32 $0xC040;
	[sflag:s0] =	ssyncset.done $0x0  }
0x241: {  	s3 =	simm.s32 $0x40;
	[sflag:s0] =	ssyncadd.s32 $0xFFFFC000;
	s0 =	simm.s32 $0x0  }
.LBB2_39:
0x242: {  	v7 =	vld [tilespmem:s3+$0x30]  }
0x243: {  	v8 =	vld [tilespmem:s3+$0xFFFFFFD0]  }
0x244: {  	v9 =	vld [tilespmem:s3+$0xFFFFFFE0]  }
0x245: {  	v10 =	vld [tilespmem:s3+$0xFFFFFFF0]  }
0x246: {  	v11 =	vld [tilespmem:s3+$0x0]  }
0x247: {  	v12 =	vld [tilespmem:s3+$0x10]  }
0x248: {  	v13 =	vld [tilespmem:s3+$0x20]  }
0x249: {  	v14 =	vld [tilespmem:s3+$0xFFFFFFC0];
	s9 =	sadd.s32 $0x400, s3  }
0x24a: {  	v15 =	vld [tilespmem:s9+$0x30]  }
0x24b: {  	v7 =	vmul.f32 v7, v5;
	v8 =	vmul.f32 v8, v5  }
0x24c: {  	v9 =	vmul.f32 v9, v5;
	v10 =	vmul.f32 v10, v5  }
0x24d: {  	v11 =	vmul.f32 v11, v5;
	v12 =	vmul.f32 v12, v5  }
0x24e: {  	v13 =	vmul.f32 v13, v5;
	v14 =	vmul.f32 v14, v5  }
0x24f: {  	v15 =	vmul.f32 v15, v5;
	v7 =	vmax.f32 v7, $-1.270000000e+02;
	v8 =	vmax.f32 v8, $-1.270000000e+02  }
0x250: {  	v9 =	vmax.f32 v9, $-1.270000000e+02;
	v10 =	vmax.f32 v10, $-1.270000000e+02;
	v11 =	vmax.f32 v11, $-1.270000000e+02  }
0x251: {  	v12 =	vmax.f32 v12, $-1.270000000e+02;
	v13 =	vmax.f32 v13, $-1.270000000e+02;
	v14 =	vmax.f32 v14, $-1.270000000e+02  }
0x252: {  	v7 =	vmin.f32 v7, $1.270000000e+02;
	v8 =	vmin.f32 v8, $1.270000000e+02;
	v9 =	vmin.f32 v9, $1.270000000e+02  }
0x253: {  	v10 =	vmin.f32 v10, $1.270000000e+02;
	v11 =	vmin.f32 v11, $1.270000000e+02;
	v14 =	vmin.f32 v14, $1.270000000e+02  }
0x254: {  	v12 =	vmin.f32 v12, $1.270000000e+02;
	v7 =	vadd.f32 $1.258291200e+07, v7;
	v8 =	vadd.f32 $1.258291200e+07, v8  }
0x255: {  	v13 =	vmin.f32 v13, $1.270000000e+02;
	v14 =	vadd.f32 $1.258291200e+07, v14;
	v9 =	vadd.f32 $1.258291200e+07, v9  }
0x256: {  	v15 =	vmax.f32 v15, $-1.270000000e+02;
	v10 =	vadd.f32 $1.258291200e+07, v10;
	v17 =	vadd.f32 $1.258291200e+07, v11  }
0x257: {  	v16 =	vld [tilespmem:s9+$0xFFFFFFD0];
	v12 =	vadd.f32 $1.258291200e+07, v12;
	v13 =	vadd.f32 $1.258291200e+07, v13;
	v15 =	vmin.f32 v15, $1.270000000e+02  }
0x258: {  	v18 =	vld [tilespmem:s9+$0xFFFFFFE0];
	v15 =	vadd.f32 $1.258291200e+07, v15;
	v7 =	vadd.f32 $-1.258291200e+07, v7  }
0x259: {  	v22 =	vld [tilespmem:s9+$0x0];
	v14 =	vadd.f32 $-1.258291200e+07, v14;
	v20 =	vadd.f32 $-1.258291200e+07, v8  }
0x25a: {  	v19 =	vld [tilespmem:s9+$0xFFFFFFF0];
	v11 =	vadd.f32 $-1.258291200e+07, v9;
	v9 =	vadd.f32 $-1.258291200e+07, v10  }
0x25b: {  	v23 =	vld [tilespmem:s9+$0x10];
	v10 =	vadd.f32 $-1.258291200e+07, v17;
	v8 =	vadd.f32 $-1.258291200e+07, v13  }
0x25c: {  	v13 =	vld [tilespmem:s9+$0xFFFFFFC0];
	v21 =	vmul.f32 v7, v4;
	v7 =	vadd.f32 $-1.258291200e+07, v12;
	v12 =	vmul.f32 v16, v5  }
0x25d: {  	v15 =	vadd.f32 $-1.258291200e+07, v15;
	v16 =	vld [tilespmem:s9+$0x20];
	v17 =	vmul.f32 v14, v4;
	v14 =	vmul.f32 v18, v5  }
0x25e: {  	v18 =	vmul.f32 v20, v4;
	v20 =	vmul.f32 v22, v5  }
0x25f: {  	v19 =	vmul.f32 v19, v5;
	v24 =	vmul.f32 v15, v4  }
0x260: {  	v12 =	vmax.f32 v12, $-1.270000000e+02;
	v14 =	vmax.f32 v14, $-1.270000000e+02;
	v20 =	vmax.f32 v20, $-1.270000000e+02  }
0x261: {  	v61 =	vmin.f32 v12, $1.270000000e+02;
	v12 =	vmax.f32 v19, $-1.270000000e+02;
	v19 =	vmul.f32 v23, v5  }
0x262: {  	[tilespmem:s2+$0x30] =	vst v21;
	v62 =	vmul.f32 v13, v5;
	v14 =	vmin.f32 v14, $1.270000000e+02;
	v16 =	vmul.f32 v16, v5  }
0x263: {  	[tilespmem:s2+$0xFFFFFFC0] =	vst v17;
	v13 =	vmin.f32 v12, $1.270000000e+02;
	v17 =	vadd.f32 $1.258291200e+07, v61;
	v19 =	vmax.f32 v19, $-1.270000000e+02  }
0x264: {  	s6 =	sadd.s32 $0x400, s2;
	[tilespmem:s2+$0xFFFFFFD0] =	vst v18;
	v15 =	vmax.f32 v62, $-1.270000000e+02;
	v12 =	vmin.f32 v19, $1.270000000e+02;
	v63 =	vmax.f32 v16, $-1.270000000e+02  }
0x265: {  	s10 =	simm.s32 $0x80;
	s13 =	sadd.s32 $0x400, s9;
	s9 =	smov.u32 s2;
	[tilespmem:s6+$0x30] =	vst v24;
	v18 =	vmin.f32 v15, $1.270000000e+02;
	v16 =	vmin.f32 v20, $1.270000000e+02;
	v15 =	vmin.f32 v63, $1.270000000e+02  }
.LBB2_40:
0x266: {  	v19 =	vld [tilespmem:s13+$0x30];
	s10 =	sadd.s32 $0x80, s10;
	v18 =	vadd.f32 $1.258291200e+07, v18;
	v14 =	vadd.f32 $1.258291200e+07, v14;
	v11 =	vmul.f32 v11, v4  }
0x267: {  	v13 =	vadd.f32 $1.258291200e+07, v13;
	v16 =	vadd.f32 $1.258291200e+07, v16;
	v9 =	vmul.f32 v9, v4;
	v20 =	vld [tilespmem:s13+$0xFFFFFFD0];
	p0 =	slt.u32 s10, $0x780  }
0x268: {  	v12 =	vadd.f32 $1.258291200e+07, v12;
	v15 =	vadd.f32 $1.258291200e+07, v15;
	v10 =	vmul.f32 v10, v4;
	v21 =	vld [tilespmem:s13+$0xFFFFFFE0];
	[tilespmem:s9+$0xFFFFFFE0] =	vst v11  }
0x269: {  	v23 =	vmul.f32 v7, v4;
	v17 =	vadd.f32 $-1.258291200e+07, v17;
	v18 =	vadd.f32 $-1.258291200e+07, v18;
	v22 =	vld [tilespmem:s13+$0xFFFFFFF0];
	[tilespmem:s9+$0xFFFFFFF0] =	vst v9  }
0x26a: {  	v11 =	vadd.f32 $-1.258291200e+07, v14;
	v9 =	vadd.f32 $-1.258291200e+07, v13;
	v13 =	vmul.f32 v8, v4;
	v24 =	vld [tilespmem:s13+$0x0];
	[tilespmem:s9+$0x0] =	vst v10  }
0x26b: {  	v7 =	vadd.f32 $-1.258291200e+07, v12;
	v10 =	vadd.f32 $-1.258291200e+07, v16;
	v14 =	vld [tilespmem:s13+$0x10];
	v19 =	vmul.f32 v19, v5;
	[tilespmem:s9+$0x10] =	vst v23  }
0x26c: {  	v8 =	vadd.f32 $-1.258291200e+07, v15;
	v18 =	vmul.f32 v18, v4;
	v12 =	vmul.f32 v20, v5;
	v16 =	vld [tilespmem:s13+$0x20];
	[tilespmem:s9+$0x20] =	vst v13;
	s9 =	smov.u32 s6  }
0x26d: {  	v17 =	vmul.f32 v17, v4;
	v13 =	vld [tilespmem:s13+$0xFFFFFFC0];
	v15 =	vmul.f32 v21, v5;
	v19 =	vmax.f32 v19, $-1.270000000e+02  }
0x26e: {  	v12 =	vmax.f32 v12, $-1.270000000e+02;
	v20 =	vmul.f32 v22, v5;
	v19 =	vmin.f32 v19, $1.270000000e+02;
	[tilespmem:s6+$0xFFFFFFC0] =	vst v18  }
0x26f: {  	v15 =	vmax.f32 v15, $-1.270000000e+02;
	v18 =	vmul.f32 v24, v5;
	v19 =	vadd.f32 $1.258291200e+07, v19;
	[tilespmem:s6+$0xFFFFFFD0] =	vst v17  }
0x270: {  	v17 =	vmin.f32 v12, $1.270000000e+02;
	v12 =	vmax.f32 v20, $-1.270000000e+02;
	v20 =	vmul.f32 v14, v5  }
.Ltmp29:
0x271: {  	v18 =	vmax.f32 v18, $-1.270000000e+02;
	v16 =	vmul.f32 v16, v5;
	v19 =	vadd.f32 $-1.258291200e+07, v19;
	(pc) =	sbr.rel @p0 .LBB2_40-.Ltmp29, $4  }
0x272: {  	v14 =	vmin.f32 v15, $1.270000000e+02;
	v21 =	vmul.f32 v13, v5;
	v15 =	vmax.f32 v20, $-1.270000000e+02  }
0x273: {  	v13 =	vmin.f32 v12, $1.270000000e+02;
	v20 =	vmax.f32 v16, $-1.270000000e+02;
	v19 =	vmul.f32 v19, v4  }
0x274: {  	s6 =	sadd.s32 $0x400, s6;
	v16 =	vmin.f32 v18, $1.270000000e+02;
	v12 =	vmin.f32 v15, $1.270000000e+02;
	v21 =	vmax.f32 v21, $-1.270000000e+02  }
0x275: {  	s13 =	sadd.s32 $0x400, s13;
	v17 =	vadd.f32 $1.258291200e+07, v17;
	v15 =	vmin.f32 v20, $1.270000000e+02;
	v18 =	vmin.f32 v21, $1.270000000e+02;
	[tilespmem:s6+$0x30] =	vst v19  }
0x276: {  	v11 =	vmul.f32 v11, v4  }
0x277: {  	v18 =	vadd.f32 $1.258291200e+07, v18;
	v9 =	vmul.f32 v9, v4  }
0x278: {  	v10 =	vmul.f32 v10, v4;
	[tilespmem:s9+$0xFFFFFFE0] =	vst v11  }
0x279: {  	v56 =	vadd.f32 $1.258291200e+07, v14;
	v7 =	vmul.f32 v7, v4;
	v57 =	vadd.f32 $-1.258291200e+07, v18;
	[tilespmem:s9+$0xFFFFFFF0] =	vst v9  }
0x27a: {  	v58 =	vadd.f32 $1.258291200e+07, v13;
	v8 =	vmul.f32 v8, v4;
	v59 =	vadd.f32 $-1.258291200e+07, v17;
	[tilespmem:s9+$0x0] =	vst v10  }
0x27b: {  	v60 =	vadd.f32 $1.258291200e+07, v16;
	v11 =	vadd.f32 $-1.258291200e+07, v56;
	[tilespmem:s9+$0x10] =	vst v7;
	v7 =	vmul.f32 v57, v4  }
0x27c: {  	v12 =	vadd.f32 $1.258291200e+07, v12;
	v9 =	vadd.f32 $-1.258291200e+07, v58;
	[tilespmem:s9+$0x20] =	vst v8;
	v8 =	vmul.f32 v59, v4  }
0x27d: {  	v61 =	vadd.f32 $1.258291200e+07, v15;
	s0 =	sadd.s32 $0x1, s0;
	v10 =	vadd.f32 $-1.258291200e+07, v60;
	[tilespmem:s6+$0xFFFFFFC0] =	vst v7;
	v7 =	vmul.f32 v11, v4  }
0x27e: {  	p0 =	seq.s32 s0, $0x8;
	v62 =	vadd.f32 $-1.258291200e+07, v12;
	[tilespmem:s6+$0xFFFFFFD0] =	vst v8;
	v8 =	vmul.f32 v9, v4  }
.Ltmp30:
0x27f: {  	v63 =	vadd.f32 $-1.258291200e+07, v61;
	[tilespmem:s6+$0xFFFFFFE0] =	vst v7;
	v7 =	vmul.f32 v10, v4;
	(pc) =	sbr.rel @!p0 .LBB2_39-.Ltmp30, $4  }
0x280: {  	[tilespmem:s6+$0xFFFFFFF0] =	vst v8;
	v8 =	vmul.f32 v62, v4  }
0x281: {  	[tilespmem:s6+$0x0] =	vst v7;
	v7 =	vmul.f32 v63, v4  }
0x282: {  	[tilespmem:s6+$0x10] =	vst v8  }
0x283: {  	s2 =	sadd.s32 $0x80, s2;
	s3 =	sadd.s32 $0x80, s3;
	[tilespmem:s6+$0x20] =	vst v7  }
0x284: {  	p0 =	sgt.s32 s31, $0x0  }
.Ltmp31:
0x285: {  	_ = 	snop;
	(pc) =	sbr.rel @!p0 .LBB2_49-.Ltmp31, $1  }
0x286: {  	_ =	sdelay $0x3  }
0x287: {  	p2 =	sne.s32 s31, $0x1  }
.Ltmp32:
0x288: {  	_ = 	snop;
	(pc) =	sbr.rel @!p2 .LBB2_44-.Ltmp32, $3  }
0x289: {  	_ =	sdelay $0x1  }
0x28a: {  	s2 =	simm.s32 $0x18700  }
0x28b: {  	s0 =	simm.s32 $0x0;
	p1 =	por $0x0, $0x0;
	v7 =	vld [tilespmem:s2+$0x0];
	s2 =	sadd.s32 $0xFFFFFFFF, s31  }
0x28c: {  	_ =	sdelay $0x1  }
0x28d: {  	v8 =	vor.u32 s0, v2  }
0x28e: {  	vm1 =	vlt.s32 v8, v6  }
0x28f: {  	v8 =	vand.u32 $0xFFFF8800, v7;
	v9 =	vand.u32 $0x7F, v7;
	v10 =	vshrl.u32 v7, $0x5  }
0x290: {  	v7 =	vshll.u32 v7, $0x3;
	vm2 =	veq.s32 v8, $0x78000;
	v8 =	vand.u32 $0x380, v10  }
0x291: {  	v7 =	vand.u32 $0x3C00, v7;
	vm1 =	vmand vm1, vm2;
	v8 =	vor.u32 v9, v8  }
0x292: {  	v7 =	vor.u32 v7, v8;
	_ =	sdelay $0x4  }
0x293: {  	v8 =	vld.idx.msk [tilespmem:v7+s5+$0x0], vm1;
	_ =	sdelay $0x4  }
0x294: {  	v8 =	vmul.f32 v8, v5;
	_ =	sdelay $0x1  }
0x295: {  	v8 =	vmax.f32 v8, $-1.270000000e+02  }
0x296: {  	v8 =	vmin.f32 v8, $1.270000000e+02  }
0x297: {  	v8 =	vtrunc.f32 v8  }
0x298: {  	v8 =	vcvt.f32.s32 v8;
	_ =	sdelay $0x1  }
0x299: {  	v8 =	vxor.u32 $0x80, v8  }
0x29a: {  	p2 =	sne.s32 s2, $0x1;
	v8 =	vcvt.s32.f32 v8  }
.Ltmp33:
0x29b: {  	_ = 	snop;
	(pc) =	sbr.rel @!p2 .LBB2_46-.Ltmp33, $3  }
0x29c: {  	v8 =	vmul.f32 v8, v4;
	_ =	sdelay $0x1  }
0x29d: {  	s3 =	simm.s32 $0x18710;
	[tilespmem:v7+s21+$0x0] =	vst.idx.msk vm1, v8  }
0x29e: {  	s6 =	sadd.s32 $0xFFFFFFFF, s2;
	p1 =	por $0x1, $0x1;
	s2 =	simm.s32 $0x0;
	v7 =	vld [tilespmem:s3+$0x0]  }
.LBB2_47:
0x29f: {  	p2 =	sne.s32 s6, $0x1  }
0x2a0: {  	s2 =	sadd.s32 $0x10, s2  }
0x2a1: {  	v8 =	vor.u32 s2, v2  }
0x2a2: {  	vm1 =	vlt.s32 v8, v6  }
0x2a3: {  	v8 =	vand.u32 $0xFFFF8800, v7;
	v9 =	vand.u32 $0x7F, v7;
	v10 =	vshrl.u32 v7, $0x5  }
0x2a4: {  	v7 =	vshll.u32 v7, $0x3;
	vm2 =	veq.s32 v8, $0x78000;
	v8 =	vand.u32 $0x380, v10  }
0x2a5: {  	v7 =	vand.u32 $0x3C00, v7;
	vm1 =	vmand vm1, vm2;
	v8 =	vor.u32 v9, v8  }
0x2a6: {  	v7 =	vor.u32 v7, v8;
	_ =	sdelay $0x4  }
0x2a7: {  	v8 =	vld.idx.msk [tilespmem:v7+s5+$0x0], vm1;
	_ =	sdelay $0x5  }
0x2a8: {  	v8 =	vmul.f32 v8, v5;
	_ =	sdelay $0x1  }
0x2a9: {  	v8 =	vmax.f32 v8, $-1.270000000e+02  }
0x2aa: {  	v8 =	vmin.f32 v8, $1.270000000e+02  }
0x2ab: {  	v8 =	vtrunc.f32 v8  }
0x2ac: {  	v8 =	vcvt.f32.s32 v8;
	_ =	sdelay $0x1  }
0x2ad: {  	v8 =	vxor.u32 $0x80, v8  }
0x2ae: {  	v8 =	vcvt.s32.f32 v8  }
.Ltmp34:
0x2af: {  	(pc) =	sbr.rel @p2 .LBB2_47-.Ltmp34, $3  }
0x2b0: {  	v8 =	vmul.f32 v8, v4;
	_ =	sdelay $0x1  }
0x2b1: {  	s3 =	sadd.s32 $0x10, s3;
	[tilespmem:v7+s21+$0x0] =	vst.idx.msk vm1, v8  }
0x2b2: {  	s6 =	sadd.s32 $0xFFFFFFFF, s6;
	v7 =	vld [tilespmem:s3+$0x0]  }
.LBB2_48:
0x2b3: {  	s2 =	sadd.s32 @p1 $0x10, s2  }
0x2b4: {  	s0 =	smov.u32 @p1 s2  }
0x2b5: {  	v8 =	vor.u32 s0, v2  }
0x2b6: {  	vm1 =	vlt.s32 v8, v6  }
0x2b7: {  	v8 =	vand.u32 $0xFFFF8800, v7;
	v9 =	vand.u32 $0x7F, v7;
	v10 =	vshrl.u32 v7, $0x5  }
0x2b8: {  	v7 =	vshll.u32 v7, $0x3;
	vm2 =	veq.s32 v8, $0x78000;
	v8 =	vand.u32 $0x380, v10  }
0x2b9: {  	v7 =	vand.u32 $0x3C00, v7;
	vm1 =	vmand vm1, vm2;
	v8 =	vor.u32 v9, v8  }
0x2ba: {  	v7 =	vor.u32 v7, v8;
	_ =	sdelay $0x4  }
0x2bb: {  	v8 =	vld.idx.msk [tilespmem:v7+s5+$0x0], vm1;
	_ =	sdelay $0x4  }
0x2bc: {  	v8 =	vmul.f32 v8, v5;
	_ =	sdelay $0x1  }
0x2bd: {  	v8 =	vmax.f32 v8, $-1.270000000e+02  }
0x2be: {  	v8 =	vmin.f32 v8, $1.270000000e+02  }
0x2bf: {  	v8 =	vtrunc.f32 v8  }
0x2c0: {  	v8 =	vcvt.f32.s32 v8;
	_ =	sdelay $0x1  }
0x2c1: {  	v8 =	vxor.u32 $0x80, v8  }
0x2c2: {  	v8 =	vcvt.s32.f32 v8;
	_ =	sdelay $0x1  }
0x2c3: {  	v8 =	vmul.f32 v8, v4;
	_ =	sdelay $0x1  }
0x2c4: {  	[tilespmem:v7+s21+$0x0] =	vst.idx.msk vm1, v8  }
.LBB2_49:
0x2c5: {  	s0 =	simm.s32 $0x0;
	s2 =	rddreg [dreg:$0x8]  }
0x2c6: {  	[hbm4b:s2+s0] =	stream.linear.scatter [tilespmem:s21], [sflag:$0x4], $0x4000, $0x38;
	[tilespmem:$0x18E80] =	vst v63  }
0x2c7: {  	_ =	swait.ge [sflag:s22], $0x4000  }
0x2c8: {  	[sflag:s22] =	ssyncset.done $0x0  }
0x2c9: {  	s29 =	simm.s32 $0x5;
	[sflag:s22] =	ssyncadd.s32 $0xFFFFC000  }
0x2ca: {  	_ =	swait.ge [sflag:s29], $0x4000  }
0x2cb: {  	[sflag:s29] =	ssyncset.done $0x0  }
0x2cc: {  	s3 =	simm.s32 $0x4040;
	s2 =	simm.s32 $0x10040;
	[sflag:s29] =	ssyncadd.s32 $0xFFFFC000  }
.LBB2_50:
0x2cd: {  	v7 =	vld [tilespmem:s3+$0x30]  }
0x2ce: {  	v8 =	vld [tilespmem:s3+$0xFFFFFFD0]  }
0x2cf: {  	v9 =	vld [tilespmem:s3+$0xFFFFFFE0]  }
0x2d0: {  	v10 =	vld [tilespmem:s3+$0xFFFFFFF0]  }
0x2d1: {  	v11 =	vld [tilespmem:s3+$0x0]  }
0x2d2: {  	v12 =	vld [tilespmem:s3+$0x10]  }
0x2d3: {  	v13 =	vld [tilespmem:s3+$0x20]  }
0x2d4: {  	v14 =	vld [tilespmem:s3+$0xFFFFFFC0];
	s9 =	sadd.s32 $0x400, s3  }
0x2d5: {  	v15 =	vld [tilespmem:s9+$0x30]  }
0x2d6: {  	v7 =	vmul.f32 v7, v5;
	v8 =	vmul.f32 v8, v5  }
0x2d7: {  	v9 =	vmul.f32 v9, v5;
	v10 =	vmul.f32 v10, v5  }
0x2d8: {  	v11 =	vmul.f32 v11, v5;
	v12 =	vmul.f32 v12, v5  }
0x2d9: {  	v13 =	vmul.f32 v13, v5;
	v14 =	vmul.f32 v14, v5  }
0x2da: {  	v15 =	vmul.f32 v15, v5;
	v7 =	vmax.f32 v7, $-1.270000000e+02;
	v8 =	vmax.f32 v8, $-1.270000000e+02  }
0x2db: {  	v9 =	vmax.f32 v9, $-1.270000000e+02;
	v10 =	vmax.f32 v10, $-1.270000000e+02;
	v11 =	vmax.f32 v11, $-1.270000000e+02  }
0x2dc: {  	v12 =	vmax.f32 v12, $-1.270000000e+02;
	v13 =	vmax.f32 v13, $-1.270000000e+02;
	v14 =	vmax.f32 v14, $-1.270000000e+02  }
0x2dd: {  	v7 =	vmin.f32 v7, $1.270000000e+02;
	v8 =	vmin.f32 v8, $1.270000000e+02;
	v9 =	vmin.f32 v9, $1.270000000e+02  }
0x2de: {  	v10 =	vmin.f32 v10, $1.270000000e+02;
	v11 =	vmin.f32 v11, $1.270000000e+02;
	v14 =	vmin.f32 v14, $1.270000000e+02  }
0x2df: {  	v12 =	vmin.f32 v12, $1.270000000e+02;
	v7 =	vadd.f32 $1.258291200e+07, v7;
	v8 =	vadd.f32 $1.258291200e+07, v8  }
0x2e0: {  	v13 =	vmin.f32 v13, $1.270000000e+02;
	v14 =	vadd.f32 $1.258291200e+07, v14;
	v9 =	vadd.f32 $1.258291200e+07, v9  }
0x2e1: {  	v15 =	vmax.f32 v15, $-1.270000000e+02;
	v10 =	vadd.f32 $1.258291200e+07, v10;
	v17 =	vadd.f32 $1.258291200e+07, v11  }
0x2e2: {  	v16 =	vld [tilespmem:s9+$0xFFFFFFD0];
	v12 =	vadd.f32 $1.258291200e+07, v12;
	v13 =	vadd.f32 $1.258291200e+07, v13;
	v15 =	vmin.f32 v15, $1.270000000e+02  }
0x2e3: {  	v18 =	vld [tilespmem:s9+$0xFFFFFFE0];
	v15 =	vadd.f32 $1.258291200e+07, v15;
	v7 =	vadd.f32 $-1.258291200e+07, v7  }
0x2e4: {  	v22 =	vld [tilespmem:s9+$0x0];
	v14 =	vadd.f32 $-1.258291200e+07, v14;
	v20 =	vadd.f32 $-1.258291200e+07, v8  }
0x2e5: {  	v19 =	vld [tilespmem:s9+$0xFFFFFFF0];
	v11 =	vadd.f32 $-1.258291200e+07, v9;
	v9 =	vadd.f32 $-1.258291200e+07, v10  }
0x2e6: {  	v23 =	vld [tilespmem:s9+$0x10];
	v10 =	vadd.f32 $-1.258291200e+07, v17;
	v8 =	vadd.f32 $-1.258291200e+07, v13  }
0x2e7: {  	v13 =	vld [tilespmem:s9+$0xFFFFFFC0];
	v21 =	vmul.f32 v7, v4;
	v7 =	vadd.f32 $-1.258291200e+07, v12;
	v12 =	vmul.f32 v16, v5  }
0x2e8: {  	v15 =	vadd.f32 $-1.258291200e+07, v15;
	v16 =	vld [tilespmem:s9+$0x20];
	v17 =	vmul.f32 v14, v4;
	v14 =	vmul.f32 v18, v5  }
0x2e9: {  	v18 =	vmul.f32 v20, v4;
	v20 =	vmul.f32 v22, v5  }
0x2ea: {  	v19 =	vmul.f32 v19, v5;
	v24 =	vmul.f32 v15, v4  }
0x2eb: {  	v12 =	vmax.f32 v12, $-1.270000000e+02;
	v14 =	vmax.f32 v14, $-1.270000000e+02;
	v20 =	vmax.f32 v20, $-1.270000000e+02  }
0x2ec: {  	v61 =	vmin.f32 v12, $1.270000000e+02;
	v12 =	vmax.f32 v19, $-1.270000000e+02;
	v19 =	vmul.f32 v23, v5  }
0x2ed: {  	[tilespmem:s2+$0x30] =	vst v21;
	v62 =	vmul.f32 v13, v5;
	v14 =	vmin.f32 v14, $1.270000000e+02;
	v16 =	vmul.f32 v16, v5  }
0x2ee: {  	[tilespmem:s2+$0xFFFFFFC0] =	vst v17;
	v13 =	vmin.f32 v12, $1.270000000e+02;
	v17 =	vadd.f32 $1.258291200e+07, v61;
	v19 =	vmax.f32 v19, $-1.270000000e+02  }
0x2ef: {  	s6 =	sadd.s32 $0x400, s2;
	[tilespmem:s2+$0xFFFFFFD0] =	vst v18;
	v15 =	vmax.f32 v62, $-1.270000000e+02;
	v12 =	vmin.f32 v19, $1.270000000e+02;
	v63 =	vmax.f32 v16, $-1.270000000e+02  }
0x2f0: {  	s10 =	simm.s32 $0x80;
	s13 =	sadd.s32 $0x400, s9;
	s9 =	smov.u32 s2;
	[tilespmem:s6+$0x30] =	vst v24;
	v18 =	vmin.f32 v15, $1.270000000e+02;
	v16 =	vmin.f32 v20, $1.270000000e+02;
	v15 =	vmin.f32 v63, $1.270000000e+02  }
.LBB2_51:
0x2f1: {  	v19 =	vld [tilespmem:s13+$0x30];
	s10 =	sadd.s32 $0x80, s10;
	v18 =	vadd.f32 $1.258291200e+07, v18;
	v14 =	vadd.f32 $1.258291200e+07, v14;
	v11 =	vmul.f32 v11, v4  }
0x2f2: {  	v13 =	vadd.f32 $1.258291200e+07, v13;
	v16 =	vadd.f32 $1.258291200e+07, v16;
	v9 =	vmul.f32 v9, v4;
	v20 =	vld [tilespmem:s13+$0xFFFFFFD0];
	p1 =	slt.u32 s10, $0x780  }
0x2f3: {  	v12 =	vadd.f32 $1.258291200e+07, v12;
	v15 =	vadd.f32 $1.258291200e+07, v15;
	v10 =	vmul.f32 v10, v4;
	v21 =	vld [tilespmem:s13+$0xFFFFFFE0];
	[tilespmem:s9+$0xFFFFFFE0] =	vst v11  }
0x2f4: {  	v23 =	vmul.f32 v7, v4;
	v17 =	vadd.f32 $-1.258291200e+07, v17;
	v18 =	vadd.f32 $-1.258291200e+07, v18;
	v22 =	vld [tilespmem:s13+$0xFFFFFFF0];
	[tilespmem:s9+$0xFFFFFFF0] =	vst v9  }
0x2f5: {  	v11 =	vadd.f32 $-1.258291200e+07, v14;
	v9 =	vadd.f32 $-1.258291200e+07, v13;
	v13 =	vmul.f32 v8, v4;
	v24 =	vld [tilespmem:s13+$0x0];
	[tilespmem:s9+$0x0] =	vst v10  }
0x2f6: {  	v7 =	vadd.f32 $-1.258291200e+07, v12;
	v10 =	vadd.f32 $-1.258291200e+07, v16;
	v14 =	vld [tilespmem:s13+$0x10];
	v19 =	vmul.f32 v19, v5;
	[tilespmem:s9+$0x10] =	vst v23  }
0x2f7: {  	v8 =	vadd.f32 $-1.258291200e+07, v15;
	v18 =	vmul.f32 v18, v4;
	v12 =	vmul.f32 v20, v5;
	v16 =	vld [tilespmem:s13+$0x20];
	[tilespmem:s9+$0x20] =	vst v13;
	s9 =	smov.u32 s6  }
0x2f8: {  	v17 =	vmul.f32 v17, v4;
	v13 =	vld [tilespmem:s13+$0xFFFFFFC0];
	v15 =	vmul.f32 v21, v5;
	v19 =	vmax.f32 v19, $-1.270000000e+02  }
0x2f9: {  	v12 =	vmax.f32 v12, $-1.270000000e+02;
	v20 =	vmul.f32 v22, v5;
	v19 =	vmin.f32 v19, $1.270000000e+02;
	[tilespmem:s6+$0xFFFFFFC0] =	vst v18  }
0x2fa: {  	v15 =	vmax.f32 v15, $-1.270000000e+02;
	v18 =	vmul.f32 v24, v5;
	v19 =	vadd.f32 $1.258291200e+07, v19;
	[tilespmem:s6+$0xFFFFFFD0] =	vst v17  }
0x2fb: {  	v17 =	vmin.f32 v12, $1.270000000e+02;
	v12 =	vmax.f32 v20, $-1.270000000e+02;
	v20 =	vmul.f32 v14, v5  }
.Ltmp35:
0x2fc: {  	v18 =	vmax.f32 v18, $-1.270000000e+02;
	v16 =	vmul.f32 v16, v5;
	v19 =	vadd.f32 $-1.258291200e+07, v19;
	(pc) =	sbr.rel @p1 .LBB2_51-.Ltmp35, $4  }
0x2fd: {  	v14 =	vmin.f32 v15, $1.270000000e+02;
	v21 =	vmul.f32 v13, v5;
	v15 =	vmax.f32 v20, $-1.270000000e+02  }
0x2fe: {  	v13 =	vmin.f32 v12, $1.270000000e+02;
	v20 =	vmax.f32 v16, $-1.270000000e+02;
	v19 =	vmul.f32 v19, v4  }
0x2ff: {  	s6 =	sadd.s32 $0x400, s6;
	v16 =	vmin.f32 v18, $1.270000000e+02;
	v12 =	vmin.f32 v15, $1.270000000e+02;
	v21 =	vmax.f32 v21, $-1.270000000e+02  }
0x300: {  	s13 =	sadd.s32 $0x400, s13;
	v17 =	vadd.f32 $1.258291200e+07, v17;
	v15 =	vmin.f32 v20, $1.270000000e+02;
	v18 =	vmin.f32 v21, $1.270000000e+02;
	[tilespmem:s6+$0x30] =	vst v19  }
0x301: {  	v11 =	vmul.f32 v11, v4  }
0x302: {  	v18 =	vadd.f32 $1.258291200e+07, v18;
	v9 =	vmul.f32 v9, v4  }
0x303: {  	v10 =	vmul.f32 v10, v4;
	[tilespmem:s9+$0xFFFFFFE0] =	vst v11  }
0x304: {  	v56 =	vadd.f32 $1.258291200e+07, v14;
	v7 =	vmul.f32 v7, v4;
	v57 =	vadd.f32 $-1.258291200e+07, v18;
	[tilespmem:s9+$0xFFFFFFF0] =	vst v9  }
0x305: {  	v58 =	vadd.f32 $1.258291200e+07, v13;
	v8 =	vmul.f32 v8, v4;
	v59 =	vadd.f32 $-1.258291200e+07, v17;
	[tilespmem:s9+$0x0] =	vst v10  }
0x306: {  	v60 =	vadd.f32 $1.258291200e+07, v16;
	v11 =	vadd.f32 $-1.258291200e+07, v56;
	[tilespmem:s9+$0x10] =	vst v7;
	v7 =	vmul.f32 v57, v4  }
0x307: {  	v12 =	vadd.f32 $1.258291200e+07, v12;
	v9 =	vadd.f32 $-1.258291200e+07, v58;
	[tilespmem:s9+$0x20] =	vst v8;
	v8 =	vmul.f32 v59, v4  }
0x308: {  	v61 =	vadd.f32 $1.258291200e+07, v15;
	s0 =	sadd.s32 $0x1, s0;
	v10 =	vadd.f32 $-1.258291200e+07, v60;
	[tilespmem:s6+$0xFFFFFFC0] =	vst v7;
	v7 =	vmul.f32 v11, v4  }
0x309: {  	p1 =	seq.s32 s0, $0x8;
	v62 =	vadd.f32 $-1.258291200e+07, v12;
	[tilespmem:s6+$0xFFFFFFD0] =	vst v8;
	v8 =	vmul.f32 v9, v4  }
.Ltmp36:
0x30a: {  	v63 =	vadd.f32 $-1.258291200e+07, v61;
	[tilespmem:s6+$0xFFFFFFE0] =	vst v7;
	v7 =	vmul.f32 v10, v4;
	(pc) =	sbr.rel @!p1 .LBB2_50-.Ltmp36, $4  }
0x30b: {  	[tilespmem:s6+$0xFFFFFFF0] =	vst v8;
	v8 =	vmul.f32 v62, v4  }
0x30c: {  	[tilespmem:s6+$0x0] =	vst v7;
	v7 =	vmul.f32 v63, v4  }
0x30d: {  	[tilespmem:s6+$0x10] =	vst v8  }
0x30e: {  	s2 =	sadd.s32 $0x80, s2;
	s3 =	sadd.s32 $0x80, s3;
	[tilespmem:s6+$0x20] =	vst v7  }
.Ltmp37:
0x30f: {  	(pc) =	sbr.rel @!p0 .LBB2_60-.Ltmp37, $1  }
0x310: {  	_ =	sdelay $0x3  }
0x311: {  	p1 =	sne.s32 s31, $0x1  }
.Ltmp38:
0x312: {  	s2 =	simm.s32 $0x18700;
	(pc) =	sbr.rel @!p1 .LBB2_55-.Ltmp38, $2  }
0x313: {  	v7 =	vld [tilespmem:s2+$0x0];
	_ =	sdelay $0x2  }
0x314: {  	s0 =	simm.s32 $0x0;
	p0 =	por $0x0, $0x0;
	s2 =	sadd.s32 $0xFFFFFFFF, s31  }
0x315: {  	v8 =	vor.u32 s0, v2  }
0x316: {  	vm1 =	vlt.s32 v8, v6  }
0x317: {  	v8 =	vand.u32 $0xFFFF8800, v7;
	v9 =	vand.u32 $0x7F, v7;
	v10 =	vshrl.u32 v7, $0x5  }
0x318: {  	v7 =	vshll.u32 v7, $0x3;
	vm2 =	veq.s32 v8, $0x78800;
	v8 =	vand.u32 $0x380, v10  }
0x319: {  	v7 =	vand.u32 $0x3C00, v7;
	vm1 =	vmand vm1, vm2;
	v8 =	vor.u32 v9, v8  }
0x31a: {  	v7 =	vor.u32 v7, v8;
	_ =	sdelay $0x4  }
0x31b: {  	v8 =	vld.idx.msk [tilespmem:v7+s16+$0x0], vm1;
	_ =	sdelay $0x4  }
0x31c: {  	v8 =	vmul.f32 v8, v5;
	_ =	sdelay $0x1  }
0x31d: {  	v8 =	vmax.f32 v8, $-1.270000000e+02  }
0x31e: {  	v8 =	vmin.f32 v8, $1.270000000e+02  }
0x31f: {  	v8 =	vtrunc.f32 v8  }
0x320: {  	v8 =	vcvt.f32.s32 v8;
	_ =	sdelay $0x1  }
0x321: {  	v8 =	vxor.u32 $0x80, v8  }
0x322: {  	v8 =	vcvt.s32.f32 v8;
	_ =	sdelay $0x1  }
0x323: {  	v8 =	vmul.f32 v8, v4  }
0x324: {  	p1 =	sne.s32 s2, $0x1  }
.Ltmp39:
0x325: {  	s3 =	simm.s32 $0x18710;
	[tilespmem:v7+s23+$0x0] =	vst.idx.msk vm1, v8;
	(pc) =	sbr.rel @!p1 .LBB2_57-.Ltmp39, $2  }
0x326: {  	v7 =	vld [tilespmem:s3+$0x0];
	_ =	sdelay $0x2  }
0x327: {  	s6 =	sadd.s32 $0xFFFFFFFF, s2;
	p0 =	por $0x1, $0x1;
	s2 =	simm.s32 $0x0  }
.LBB2_58:
0x328: {  	p1 =	sne.s32 s6, $0x1  }
0x329: {  	s2 =	sadd.s32 $0x10, s2  }
0x32a: {  	v8 =	vor.u32 s2, v2  }
0x32b: {  	vm1 =	vlt.s32 v8, v6  }
0x32c: {  	v9 =	vand.u32 $0x7F, v7;
	v10 =	vshrl.u32 v7, $0x5;
	v8 =	vand.u32 $0xFFFF8800, v7  }
0x32d: {  	v7 =	vshll.u32 v7, $0x3;
	vm2 =	veq.s32 v8, $0x78800;
	v8 =	vand.u32 $0x380, v10  }
0x32e: {  	v7 =	vand.u32 $0x3C00, v7;
	vm1 =	vmand vm1, vm2;
	v8 =	vor.u32 v9, v8  }
0x32f: {  	v7 =	vor.u32 v7, v8;
	_ =	sdelay $0x4  }
0x330: {  	v8 =	vld.idx.msk [tilespmem:v7+s16+$0x0], vm1;
	_ =	sdelay $0x5  }
0x331: {  	v8 =	vmul.f32 v8, v5;
	_ =	sdelay $0x1  }
0x332: {  	v8 =	vmax.f32 v8, $-1.270000000e+02  }
0x333: {  	v8 =	vmin.f32 v8, $1.270000000e+02  }
0x334: {  	v8 =	vtrunc.f32 v8  }
0x335: {  	v8 =	vcvt.f32.s32 v8;
	_ =	sdelay $0x1  }
0x336: {  	v8 =	vxor.u32 $0x80, v8  }
0x337: {  	v8 =	vcvt.s32.f32 v8  }
.Ltmp40:
0x338: {  	(pc) =	sbr.rel @p1 .LBB2_58-.Ltmp40, $3  }
0x339: {  	v8 =	vmul.f32 v8, v4;
	_ =	sdelay $0x1  }
0x33a: {  	s3 =	sadd.s32 $0x10, s3;
	[tilespmem:v7+s23+$0x0] =	vst.idx.msk vm1, v8  }
0x33b: {  	s6 =	sadd.s32 $0xFFFFFFFF, s6;
	v7 =	vld [tilespmem:s3+$0x0]  }
.Ltmp41:
0x33c: {  	_ = 	snop;
	(pc) =	sbr.rel .LBB2_59-.Ltmp41, $1  }
0x33d: {  	_ =	sdelay $0x3  }
.LBB2_44:
.Ltmp42:
0x33e: {  	(pc) =	sbr.rel .LBB2_48-.Ltmp42, $2  }
0x33f: {  	_ =	sdelay $0x2  }
0x340: {  	s2 =	simm.s32 $0x0  }
.LBB2_46:
.Ltmp43:
0x341: {  	(pc) =	sbr.rel .LBB2_48-.Ltmp43, $2  }
0x342: {  	_ =	sdelay $0x2  }
0x343: {  	s2 =	simm.s32 $0x0  }
.LBB2_57:
.Ltmp44:
0x344: {  	(pc) =	sbr.rel .LBB2_59-.Ltmp44, $2  }
0x345: {  	_ =	sdelay $0x2  }
0x346: {  	s2 =	simm.s32 $0x0  }
.LBB2_61:
0x347: {  	_ =	sfence.sel $0x180000  }
0x348: {  	[bflag:$0x0] =	sbarrier.arrive $0xFFFF  }
0x349: {  	_ =	strace $0x90000047  }
0x34a: {  	s0 =	stileid.u32;
	[bflag:$0x2] =	sbarrier.arrive $0xFFFF  }
0x34b: {  	p0 =	sne.s32 s0, $0x0;
	s0 =	rddreg [dreg:$0x4]  }
0x34c: {  	s0 =	sadd.s32 @!p0 $0x100000, s0  }
0x34d: {  	[sflag:s0] =	ssyncadd.tile.s32 @!p0 $0x1;
	_ =	shalt  }
.Lfunc_end2:
_tile_overlayer_lowered:
.L_overlay_start_2:
0x34e: {  	(tag) =	ssettag $0x2  }
0x34f: {  	s0 =	rddreg [dreg:$0x0];
	s2 =	stileid.u32  }
0x350: {  	s1 =	rddreg [dreg:$0x1];
	p0 =	sne.s32 s2, $0x0  }
0x351: {  	s3 =	rddreg [dreg:$0x2];
	[bflag:$0x3] =	sbarrier.arrive $0xFFFF;
	s2 =	simm.s32 @!p0 $0x1C07  }
0x352: {  	[timem:s3], [sflag:s2] =	dma.local @!p0 [hbm:s0], s1  }
0x353: {  	s0 =	simm.s32 @!p0 $0x7  }
0x354: {  	_ =	swait.ge @!p0 [sflag:s0], s1  }
0x355: {  	s1 =	ssub.s32 @!p0 $0x0, s1;
	[sflag:s0] =	ssyncset.done @!p0 $0x0  }
0x356: {  	[sflag:s0] =	ssyncadd.s32 @!p0 s1  }
0x357: {  	[bflag:$0x3] =	sbarrier.arrive $0xFFFF  }
0x358: {  	_ =	shalt  }

</sc_bundles>
